<compile_context>
chip_gen: v7x
topology: tpu7x:2x2x1
jax: 0.10.2.dev20260603
libtpu: 0.0.44.dev20260713+nightly
codegen_flags: <defaults>
</compile_context>

<pallas_src>
import functools
import math

import jax
import jax.numpy as jnp
from jax import lax
from jax.experimental import pallas as pl
from jax.experimental.pallas import tpu as pltpu
from jax.experimental.pallas import tpu_sc as plsc

D_MODEL = 128
LANES = 16
NUM_CORES = 2
NUM_SUBCORES = 16
NUM_WORKERS = NUM_CORES * NUM_SUBCORES
CHUNK = 64
SCALE = math.sqrt(float(D_MODEL))


@functools.lru_cache(maxsize=None)
def _build(b0: int, b1: int):
    batch = b0 * b1
    assert batch % (NUM_WORKERS * CHUNK) == 0
    bpw = batch // NUM_WORKERS
    nchunk = bpw // CHUNK
    assert b1 % bpw == 0
    tiles_per_row = b1 // bpw

    mesh = plsc.VectorSubcoreMesh(core_axis_name="c", subcore_axis_name="s",
                                  num_cores=NUM_CORES,
                                  num_subcores=NUM_SUBCORES)

    @functools.partial(
        pl.kernel,
        out_type=jax.ShapeDtypeStruct((batch, D_MODEL), jnp.float32),
        mesh=mesh,
        scratch_types=[
            pltpu.VMEM((bpw,), jnp.int32),
            pltpu.VMEM((bpw, D_MODEL), jnp.float32),
            pltpu.SemaphoreType.DMA,
            [pltpu.SemaphoreType.DMA] * nchunk,
            pltpu.SemaphoreType.DMA,
        ],
    )
    def emb_kernel(x_hbm, lut_hbm, out_hbm, idx_v, rows_v, isem, gsems, wsem):
        wid = lax.axis_index("s") * NUM_CORES + lax.axis_index("c")
        base = wid * bpw
        row = wid // tiles_per_row
        col = (wid % tiles_per_row) * bpw

        pltpu.async_copy(x_hbm.at[row, pl.ds(col, bpw)], idx_v, isem).wait()

        gathers = [
            pltpu.async_copy(lut_hbm.at[idx_v.at[pl.ds(j * CHUNK, CHUNK)]],
                             rows_v.at[pl.ds(j * CHUNK, CHUNK)], gsems[j])
            for j in range(nchunk)
        ]

        for j in range(nchunk):
            off = j * CHUNK
            gathers[j].wait()

            @plsc.parallel_loop(off, off + CHUNK, unroll=2)
            def _(r):
                for c8 in range(D_MODEL // LANES):
                    sl = rows_v[r, pl.ds(c8 * LANES, LANES)]
                    rows_v[r, pl.ds(c8 * LANES, LANES)] = sl * SCALE

            pltpu.async_copy(rows_v.at[pl.ds(off, CHUNK)],
                             out_hbm.at[pl.ds(base + off, CHUNK)], wsem)

        pltpu.make_async_copy(rows_v, out_hbm.at[pl.ds(base, bpw)],
                              wsem).wait()

    return emb_kernel


def kernel(x, lut):
    b0, b1 = x.shape
    if x.dtype != jnp.int32:
        x = x.astype(jnp.int32)
    out = _build(b0, b1)(x, lut)
    return out.reshape(b0, b1, D_MODEL)

# --- scband reference (transcript-rebuilt; emitter-appended) ---
"""Pipeline reference for scband-embeddings-49048526520651 (READ-ONLY COPY).

The authoritative reference and input builder live on the scoring server;
editing this copy changes nothing except your own understanding.
"""

import jax, jax.numpy as jnp
import numpy as np
import math

D_MODEL = 128
VOCAB = 1000000


def setup_inputs(seed: int = 0) -> dict:
    key = jax.random.key(seed)
    k1, k2 = jax.random.split(key)
    x = jax.random.randint(k1, (4, 4096), 0, VOCAB, dtype=jnp.int64 if jax.config.jax_enable_x64 else jnp.int32)
    lut = jax.random.normal(k2, (VOCAB, D_MODEL), dtype=jnp.float32) * 0.02
    return {"x": x, "lut": lut}


def reference(x, lut):
    # Embedding lookup scaled by sqrt(d_model), faithful to torch nn.Embedding + scale.
    out = jnp.take(lut, x, axis=0) * math.sqrt(D_MODEL)
    return out

if __name__ == "__main__":
    import jax
    _d = setup_inputs()
    print(jax.jit(kernel)(*tuple(_d.values())))

</pallas_src>

<mosaic_0001>
#map = affine_map<(d0, d1) -> (0, 0)>
module attributes {stable_mosaic.version = 14 : i64} {
  func.func @emb_kernel(%arg0: i32, %arg1: i32, %arg2: memref<4x4096xi32, #tpu.memory_space<hbm>>, %arg3: memref<1000000x128xf32, #tpu.memory_space<hbm>>, %arg4: memref<16384x128xf32, #tpu.memory_space<hbm>>, %arg5: memref<512xi32, #tpu.memory_space<vmem>>, %arg6: memref<512x128xf32, #tpu.memory_space<vmem>>, %arg7: memref<!tpu.dma_semaphore, #tpu.memory_space<semaphore_mem>>, %arg8: memref<!tpu.dma_semaphore, #tpu.memory_space<semaphore_mem>>, %arg9: memref<!tpu.dma_semaphore, #tpu.memory_space<semaphore_mem>>, %arg10: memref<!tpu.dma_semaphore, #tpu.memory_space<semaphore_mem>>, %arg11: memref<!tpu.dma_semaphore, #tpu.memory_space<semaphore_mem>>, %arg12: memref<!tpu.dma_semaphore, #tpu.memory_space<semaphore_mem>>, %arg13: memref<!tpu.dma_semaphore, #tpu.memory_space<semaphore_mem>>, %arg14: memref<!tpu.dma_semaphore, #tpu.memory_space<semaphore_mem>>, %arg15: memref<!tpu.dma_semaphore, #tpu.memory_space<semaphore_mem>>, %arg16: memref<!tpu.dma_semaphore, #tpu.memory_space<semaphore_mem>>) attributes {dimension_semantics = [#tpu.dimension_semantics<core_parallel>, #tpu.dimension_semantics<subcore_parallel>], iteration_bounds = array<i64: 2, 16>, scalar_prefetch = 0 : i64, scratch_operands = 12 : i64, tpu.core_type = #tpu.core_type<sc_vector_subcore>, window_params = [{transform_indices = #map}, {transform_indices = #map}, {transform_indices = #map}]} {
    %mul3A = arith.constant 2 : i32
    %mul3A_0 = arith.muli %arg1, %mul3A : i32
    %add3A = arith.addi %mul3A_0, %arg0 : i32
    %mul3A_1 = arith.constant 512 : i32
    %mul3A_2 = arith.muli %add3A, %mul3A_1 : i32
    %jit3A = arith.constant 8 : i32
    %div3A = arith.divsi %add3A, %jit3A : i32
    %sign3A = arith.constant 0 : i32
    %sign3A_3 = arith.cmpi sgt, %add3A, %sign3A : i32
    %sign3A_4 = arith.extui %sign3A_3 : i1 to i32
    %sign3A_5 = arith.constant 0 : i32
    %sign3A_6 = arith.cmpi slt, %add3A, %sign3A_5 : i32
    %sign3A_7 = arith.extui %sign3A_6 : i1 to i32
    %sign3A_8 = arith.subi %sign3A_4, %sign3A_7 : i32
    %sign3A_9 = arith.constant 0 : i32
    %sign3A_10 = arith.cmpi sgt, %jit3A, %sign3A_9 : i32
    %sign3A_11 = arith.extui %sign3A_10 : i1 to i32
    %sign3A_12 = arith.constant 0 : i32
    %sign3A_13 = arith.cmpi slt, %jit3A, %sign3A_12 : i32
    %sign3A_14 = arith.extui %sign3A_13 : i1 to i32
    %sign3A_15 = arith.subi %sign3A_11, %sign3A_14 : i32
    %ne3A = arith.cmpi ne, %sign3A_8, %sign3A_15 : i32
    %rem3A = arith.remsi %add3A, %jit3A : i32
    %ne3A_16 = arith.constant 0 : i32
    %ne3A_17 = arith.cmpi ne, %rem3A, %ne3A_16 : i32
    %and3A = arith.andi %ne3A, %ne3A_17 : i1
    %sub3A = arith.constant 1 : i32
    %sub3A_18 = arith.subi %div3A, %sub3A : i32
    %select_n3A = arith.select %and3A, %sub3A_18, %div3A : i32
    %jit3A_19 = arith.constant 8 : i32
    %eq3A = arith.constant 0 : i32
    %eq3A_20 = arith.cmpi eq, %jit3A_19, %eq3A : i32
    %jit3A_21 = arith.constant 1 : i32
    %select_n3A_22 = arith.select %eq3A_20, %jit3A_21, %jit3A_19 : i32
    %rem3A_23 = arith.remsi %add3A, %select_n3A_22 : i32
    %ne3A_24 = arith.constant 0 : i32
    %ne3A_25 = arith.cmpi ne, %rem3A_23, %ne3A_24 : i32
    %lt3A = arith.constant 0 : i32
    %lt3A_26 = arith.cmpi slt, %rem3A_23, %lt3A : i32
    %lt3A_27 = arith.constant 0 : i32
    %lt3A_28 = arith.cmpi slt, %select_n3A_22, %lt3A_27 : i32
    %ne3A_29 = arith.xori %lt3A_26, %lt3A_28 : i1
    %and3A_30 = arith.andi %ne3A_29, %ne3A_25 : i1
    %add3A_31 = arith.addi %rem3A_23, %select_n3A_22 : i32
    %select_n3A_32 = arith.select %and3A_30, %add3A_31, %rem3A_23 : i32
    %mul3A_33 = arith.constant 512 : i32
    %mul3A_34 = arith.muli %select_n3A_32, %mul3A_33 : i32
    %dma_start3A = tpu.memref_slice %arg2[%select_n3A, %mul3A_34] : memref<4x4096xi32, #tpu.memory_space<hbm>> -> memref<1x512xi32, #tpu.memory_space<hbm>>
    %dma_start3A_35 = tpu.memref_squeeze %dma_start3A : memref<1x512xi32, #tpu.memory_space<hbm>> -> memref<512xi32, #tpu.memory_space<hbm>>
    %dma_start3A_36 = tpu.memref_slice %arg2[%select_n3A, %mul3A_34] : memref<4x4096xi32, #tpu.memory_space<hbm>> -> memref<1x512xi32, #tpu.memory_space<hbm>>
    %dma_start3A_37 = tpu.memref_squeeze %dma_start3A_36 : memref<1x512xi32, #tpu.memory_space<hbm>> -> memref<512xi32, #tpu.memory_space<hbm>>
    tpu.enqueue_dma source(%dma_start3A_37 : memref<512xi32, #tpu.memory_space<hbm>>) target(%arg5 : memref<512xi32, #tpu.memory_space<vmem>>) target_semaphore(%arg7 : memref<!tpu.dma_semaphore, #tpu.memory_space<semaphore_mem>>)
    %dma_wait3A = tpu.memref_slice %arg2[%select_n3A, %mul3A_34] : memref<4x4096xi32, #tpu.memory_space<hbm>> -> memref<1x512xi32, #tpu.memory_space<hbm>>
    %dma_wait3A_38 = tpu.memref_squeeze %dma_wait3A : memref<1x512xi32, #tpu.memory_space<hbm>> -> memref<512xi32, #tpu.memory_space<hbm>>
    %dma_wait3A_39 = tpu.memref_slice %arg2[%select_n3A, %mul3A_34] : memref<4x4096xi32, #tpu.memory_space<hbm>> -> memref<1x512xi32, #tpu.memory_space<hbm>>
    %dma_wait3A_40 = tpu.memref_squeeze %dma_wait3A_39 : memref<1x512xi32, #tpu.memory_space<hbm>> -> memref<512xi32, #tpu.memory_space<hbm>>
    tpu.wait_dma2 semaphore(%arg7 : memref<!tpu.dma_semaphore, #tpu.memory_space<semaphore_mem>>) src(%dma_wait3A_40 : memref<512xi32, #tpu.memory_space<hbm>>) dst(%arg5 : memref<512xi32, #tpu.memory_space<vmem>>)
    %dma_start3A_41 = arith.constant 0 : i32
    %dma_start3A_42 = arith.constant 0 : i32
    %dma_start3A_43 = tpu.memref_slice %arg6[%dma_start3A_41, %dma_start3A_42] : memref<512x128xf32, #tpu.memory_space<vmem>> -> memref<64x128xf32, #tpu.memory_space<vmem>>
    %dma_start3A_44 = arith.constant 0 : i32
    %dma_start3A_45 = tpu.memref_slice %arg5[%dma_start3A_44] : memref<512xi32, #tpu.memory_space<vmem>> -> memref<64xi32, #tpu.memory_space<vmem>>
    %dma_start3A_46 = arith.constant 0 : i32
    %dma_start3A_47 = arith.constant 0 : i32
    %dma_start3A_48 = tpu.memref_slice %arg3[%dma_start3A_46, %dma_start3A_47] : memref<1000000x128xf32, #tpu.memory_space<hbm>> -> memref<1000000x128xf32, #tpu.memory_space<hbm>>
    tpu.enqueue_indirect_dma source(%dma_start3A_48 : memref<1000000x128xf32, #tpu.memory_space<hbm>>) target(%dma_start3A_43 : memref<64x128xf32, #tpu.memory_space<vmem>>) offsets(%dma_start3A_45 : memref<64xi32, #tpu.memory_space<vmem>>) semaphore(%arg8 : memref<!tpu.dma_semaphore, #tpu.memory_space<semaphore_mem>>)
    %dma_start3A_49 = arith.constant 64 : i32
    %dma_start3A_50 = arith.constant 0 : i32
    %dma_start3A_51 = tpu.memref_slice %arg6[%dma_start3A_49, %dma_start3A_50] : memref<512x128xf32, #tpu.memory_space<vmem>> -> memref<64x128xf32, #tpu.memory_space<vmem>>
    %dma_start3A_52 = arith.constant 64 : i32
    %dma_start3A_53 = tpu.memref_slice %arg5[%dma_start3A_52] : memref<512xi32, #tpu.memory_space<vmem>> -> memref<64xi32, #tpu.memory_space<vmem>>
    %dma_start3A_54 = arith.constant 0 : i32
    %dma_start3A_55 = arith.constant 0 : i32
    %dma_start3A_56 = tpu.memref_slice %arg3[%dma_start3A_54, %dma_start3A_55] : memref<1000000x128xf32, #tpu.memory_space<hbm>> -> memref<1000000x128xf32, #tpu.memory_space<hbm>>
    tpu.enqueue_indirect_dma source(%dma_start3A_56 : memref<1000000x128xf32, #tpu.memory_space<hbm>>) target(%dma_start3A_51 : memref<64x128xf32, #tpu.memory_space<vmem>>) offsets(%dma_start3A_53 : memref<64xi32, #tpu.memory_space<vmem>>) semaphore(%arg9 : memref<!tpu.dma_semaphore, #tpu.memory_space<semaphore_mem>>)
    %dma_start3A_57 = arith.constant 128 : i32
    %dma_start3A_58 = arith.constant 0 : i32
    %dma_start3A_59 = tpu.memref_slice %arg6[%dma_start3A_57, %dma_start3A_58] : memref<512x128xf32, #tpu.memory_space<vmem>> -> memref<64x128xf32, #tpu.memory_space<vmem>>
    %dma_start3A_60 = arith.constant 128 : i32
    %dma_start3A_61 = tpu.memref_slice %arg5[%dma_start3A_60] : memref<512xi32, #tpu.memory_space<vmem>> -> memref<64xi32, #tpu.memory_space<vmem>>
    %dma_start3A_62 = arith.constant 0 : i32
    %dma_start3A_63 = arith.constant 0 : i32
    %dma_start3A_64 = tpu.memref_slice %arg3[%dma_start3A_62, %dma_start3A_63] : memref<1000000x128xf32, #tpu.memory_space<hbm>> -> memref<1000000x128xf32, #tpu.memory_space<hbm>>
    tpu.enqueue_indirect_dma source(%dma_start3A_64 : memref<1000000x128xf32, #tpu.memory_space<hbm>>) target(%dma_start3A_59 : memref<64x128xf32, #tpu.memory_space<vmem>>) offsets(%dma_start3A_61 : memref<64xi32, #tpu.memory_space<vmem>>) semaphore(%arg10 : memref<!tpu.dma_semaphore, #tpu.memory_space<semaphore_mem>>)
    %dma_start3A_65 = arith.constant 192 : i32
    %dma_start3A_66 = arith.constant 0 : i32
    %dma_start3A_67 = tpu.memref_slice %arg6[%dma_start3A_65, %dma_start3A_66] : memref<512x128xf32, #tpu.memory_space<vmem>> -> memref<64x128xf32, #tpu.memory_space<vmem>>
    %dma_start3A_68 = arith.constant 192 : i32
    %dma_start3A_69 = tpu.memref_slice %arg5[%dma_start3A_68] : memref<512xi32, #tpu.memory_space<vmem>> -> memref<64xi32, #tpu.memory_space<vmem>>
    %dma_start3A_70 = arith.constant 0 : i32
    %dma_start3A_71 = arith.constant 0 : i32
    %dma_start3A_72 = tpu.memref_slice %arg3[%dma_start3A_70, %dma_start3A_71] : memref<1000000x128xf32, #tpu.memory_space<hbm>> -> memref<1000000x128xf32, #tpu.memory_space<hbm>>
    tpu.enqueue_indirect_dma source(%dma_start3A_72 : memref<1000000x128xf32, #tpu.memory_space<hbm>>) target(%dma_start3A_67 : memref<64x128xf32, #tpu.memory_space<vmem>>) offsets(%dma_start3A_69 : memref<64xi32, #tpu.memory_space<vmem>>) semaphore(%arg11 : memref<!tpu.dma_semaphore, #tpu.memory_space<semaphore_mem>>)
    %dma_start3A_73 = arith.constant 256 : i32
    %dma_start3A_74 = arith.constant 0 : i32
    %dma_start3A_75 = tpu.memref_slice %arg6[%dma_start3A_73, %dma_start3A_74] : memref<512x128xf32, #tpu.memory_space<vmem>> -> memref<64x128xf32, #tpu.memory_space<vmem>>
    %dma_start3A_76 = arith.constant 256 : i32
    %dma_start3A_77 = tpu.memref_slice %arg5[%dma_start3A_76] : memref<512xi32, #tpu.memory_space<vmem>> -> memref<64xi32, #tpu.memory_space<vmem>>
    %dma_start3A_78 = arith.constant 0 : i32
    %dma_start3A_79 = arith.constant 0 : i32
    %dma_start3A_80 = tpu.memref_slice %arg3[%dma_start3A_78, %dma_start3A_79] : memref<1000000x128xf32, #tpu.memory_space<hbm>> -> memref<1000000x128xf32, #tpu.memory_space<hbm>>
    tpu.enqueue_indirect_dma source(%dma_start3A_80 : memref<1000000x128xf32, #tpu.memory_space<hbm>>) target(%dma_start3A_75 : memref<64x128xf32, #tpu.memory_space<vmem>>) offsets(%dma_start3A_77 : memref<64xi32, #tpu.memory_space<vmem>>) semaphore(%arg12 : memref<!tpu.dma_semaphore, #tpu.memory_space<semaphore_mem>>)
    %dma_start3A_81 = arith.constant 320 : i32
    %dma_start3A_82 = arith.constant 0 : i32
    %dma_start3A_83 = tpu.memref_slice %arg6[%dma_start3A_81, %dma_start3A_82] : memref<512x128xf32, #tpu.memory_space<vmem>> -> memref<64x128xf32, #tpu.memory_space<vmem>>
    %dma_start3A_84 = arith.constant 320 : i32
    %dma_start3A_85 = tpu.memref_slice %arg5[%dma_start3A_84] : memref<512xi32, #tpu.memory_space<vmem>> -> memref<64xi32, #tpu.memory_space<vmem>>
    %dma_start3A_86 = arith.constant 0 : i32
    %dma_start3A_87 = arith.constant 0 : i32
    %dma_start3A_88 = tpu.memref_slice %arg3[%dma_start3A_86, %dma_start3A_87] : memref<1000000x128xf32, #tpu.memory_space<hbm>> -> memref<1000000x128xf32, #tpu.memory_space<hbm>>
    tpu.enqueue_indirect_dma source(%dma_start3A_88 : memref<1000000x128xf32, #tpu.memory_space<hbm>>) target(%dma_start3A_83 : memref<64x128xf32, #tpu.memory_space<vmem>>) offsets(%dma_start3A_85 : memref<64xi32, #tpu.memory_space<vmem>>) semaphore(%arg13 : memref<!tpu.dma_semaphore, #tpu.memory_space<semaphore_mem>>)
    %dma_start3A_89 = arith.constant 384 : i32
    %dma_start3A_90 = arith.constant 0 : i32
    %dma_start3A_91 = tpu.memref_slice %arg6[%dma_start3A_89, %dma_start3A_90] : memref<512x128xf32, #tpu.memory_space<vmem>> -> memref<64x128xf32, #tpu.memory_space<vmem>>
    %dma_start3A_92 = arith.constant 384 : i32
    %dma_start3A_93 = tpu.memref_slice %arg5[%dma_start3A_92] : memref<512xi32, #tpu.memory_space<vmem>> -> memref<64xi32, #tpu.memory_space<vmem>>
    %dma_start3A_94 = arith.constant 0 : i32
    %dma_start3A_95 = arith.constant 0 : i32
    %dma_start3A_96 = tpu.memref_slice %arg3[%dma_start3A_94, %dma_start3A_95] : memref<1000000x128xf32, #tpu.memory_space<hbm>> -> memref<1000000x128xf32, #tpu.memory_space<hbm>>
    tpu.enqueue_indirect_dma source(%dma_start3A_96 : memref<1000000x128xf32, #tpu.memory_space<hbm>>) target(%dma_start3A_91 : memref<64x128xf32, #tpu.memory_space<vmem>>) offsets(%dma_start3A_93 : memref<64xi32, #tpu.memory_space<vmem>>) semaphore(%arg14 : memref<!tpu.dma_semaphore, #tpu.memory_space<semaphore_mem>>)
    %dma_start3A_97 = arith.constant 448 : i32
    %dma_start3A_98 = arith.constant 0 : i32
    %dma_start3A_99 = tpu.memref_slice %arg6[%dma_start3A_97, %dma_start3A_98] : memref<512x128xf32, #tpu.memory_space<vmem>> -> memref<64x128xf32, #tpu.memory_space<vmem>>
    %dma_start3A_100 = arith.constant 448 : i32
    %dma_start3A_101 = tpu.memref_slice %arg5[%dma_start3A_100] : memref<512xi32, #tpu.memory_space<vmem>> -> memref<64xi32, #tpu.memory_space<vmem>>
    %dma_start3A_102 = arith.constant 0 : i32
    %dma_start3A_103 = arith.constant 0 : i32
    %dma_start3A_104 = tpu.memref_slice %arg3[%dma_start3A_102, %dma_start3A_103] : memref<1000000x128xf32, #tpu.memory_space<hbm>> -> memref<1000000x128xf32, #tpu.memory_space<hbm>>
    tpu.enqueue_indirect_dma source(%dma_start3A_104 : memref<1000000x128xf32, #tpu.memory_space<hbm>>) target(%dma_start3A_99 : memref<64x128xf32, #tpu.memory_space<vmem>>) offsets(%dma_start3A_101 : memref<64xi32, #tpu.memory_space<vmem>>) semaphore(%arg15 : memref<!tpu.dma_semaphore, #tpu.memory_space<semaphore_mem>>)
    %dma_wait3A_105 = arith.constant 0 : i32
    %dma_wait3A_106 = arith.constant 0 : i32
    %dma_wait3A_107 = tpu.memref_slice %arg6[%dma_wait3A_105, %dma_wait3A_106] : memref<512x128xf32, #tpu.memory_space<vmem>> -> memref<64x128xf32, #tpu.memory_space<vmem>>
    %dma_wait3A_108 = arith.constant 0 : i32
    %dma_wait3A_109 = tpu.memref_slice %arg5[%dma_wait3A_108] : memref<512xi32, #tpu.memory_space<vmem>> -> memref<64xi32, #tpu.memory_space<vmem>>
    %dma_wait3A_110 = arith.constant 0 : i32
    %dma_wait3A_111 = arith.constant 0 : i32
    %dma_wait3A_112 = tpu.memref_slice %arg3[%dma_wait3A_110, %dma_wait3A_111] : memref<1000000x128xf32, #tpu.memory_space<hbm>> -> memref<1000000x128xf32, #tpu.memory_space<hbm>>
    tpu.wait_indirect_dma semaphore(%arg8 : memref<!tpu.dma_semaphore, #tpu.memory_space<semaphore_mem>>) src(%dma_wait3A_112 : memref<1000000x128xf32, #tpu.memory_space<hbm>>) dst(%dma_wait3A_107 : memref<64x128xf32, #tpu.memory_space<vmem>>)
    %parallel_loop3A = arith.constant 0 : i32
    %parallel_loop3A_113 = arith.constant 64 : i32
    %parallel_loop3A_114 = arith.constant 1 : i32
    scf.for %parallel_loop3A_292 = %parallel_loop3A to %parallel_loop3A_113 step %parallel_loop3A_114  : i32 {
      %parallel_loop3A_293 = arith.index_cast %parallel_loop3A_292 : i32 to index
      %parallel_loop3A_294 = arith.constant 0 : index
      %parallel_loop3A_295 = tpu.vector_load %arg6[%parallel_loop3A_293, %parallel_loop3A_294] {strides = array<i32>} : memref<512x128xf32, #tpu.memory_space<vmem>>, vector<1x16xf32>,
      %parallel_loop3A_296 = vector.shape_cast %parallel_loop3A_295 : vector<1x16xf32> to vector<16xf32>
      %parallel_loop3A_297 = arith.constant 11.3137083 : f32
      %parallel_loop3A_298 = vector.broadcast %parallel_loop3A_297 : f32 to vector<16xf32>
      %parallel_loop3A_299 = arith.mulf %parallel_loop3A_296, %parallel_loop3A_298 : vector<16xf32>
      %parallel_loop3A_300 = arith.index_cast %parallel_loop3A_292 : i32 to index
      %parallel_loop3A_301 = arith.constant 0 : index
      %parallel_loop3A_302 = tpu.vector_load %arg6[%parallel_loop3A_300, %parallel_loop3A_301] {strides = array<i32>} : memref<512x128xf32, #tpu.memory_space<vmem>>, vector<1x16xf32>,
      %parallel_loop3A_303 = vector.shape_cast %parallel_loop3A_302 : vector<1x16xf32> to vector<16xf32>
      %parallel_loop3A_304 = vector.shape_cast %parallel_loop3A_299 : vector<16xf32> to vector<1x16xf32>
      tpu.vector_store %arg6[%parallel_loop3A_300, %parallel_loop3A_301], %parallel_loop3A_304 {strides = array<i32>} : memref<512x128xf32, #tpu.memory_space<vmem>>, vector<1x16xf32>,
      %parallel_loop3A_305 = arith.index_cast %parallel_loop3A_292 : i32 to index
      %parallel_loop3A_306 = arith.constant 16 : index
      %parallel_loop3A_307 = tpu.vector_load %arg6[%parallel_loop3A_305, %parallel_loop3A_306] {strides = array<i32>} : memref<512x128xf32, #tpu.memory_space<vmem>>, vector<1x16xf32>,
      %parallel_loop3A_308 = vector.shape_cast %parallel_loop3A_307 : vector<1x16xf32> to vector<16xf32>
      %parallel_loop3A_309 = arith.constant 11.3137083 : f32
      %parallel_loop3A_310 = vector.broadcast %parallel_loop3A_309 : f32 to vector<16xf32>
      %parallel_loop3A_311 = arith.mulf %parallel_loop3A_308, %parallel_loop3A_310 : vector<16xf32>
      %parallel_loop3A_312 = arith.index_cast %parallel_loop3A_292 : i32 to index
      %parallel_loop3A_313 = arith.constant 16 : index
      %parallel_loop3A_314 = tpu.vector_load %arg6[%parallel_loop3A_312, %parallel_loop3A_313] {strides = array<i32>} : memref<512x128xf32, #tpu.memory_space<vmem>>, vector<1x16xf32>,
      %parallel_loop3A_315 = vector.shape_cast %parallel_loop3A_314 : vector<1x16xf32> to vector<16xf32>
      %parallel_loop3A_316 = vector.shape_cast %parallel_loop3A_311 : vector<16xf32> to vector<1x16xf32>
      tpu.vector_store %arg6[%parallel_loop3A_312, %parallel_loop3A_313], %parallel_loop3A_316 {strides = array<i32>} : memref<512x128xf32, #tpu.memory_space<vmem>>, vector<1x16xf32>,
      %parallel_loop3A_317 = arith.index_cast %parallel_loop3A_292 : i32 to index
      %parallel_loop3A_318 = arith.constant 32 : index
      %parallel_loop3A_319 = tpu.vector_load %arg6[%parallel_loop3A_317, %parallel_loop3A_318] {strides = array<i32>} : memref<512x128xf32, #tpu.memory_space<vmem>>, vector<1x16xf32>,
      %parallel_loop3A_320 = vector.shape_cast %parallel_loop3A_319 : vector<1x16xf32> to vector<16xf32>
      %parallel_loop3A_321 = arith.constant 11.3137083 : f32
      %parallel_loop3A_322 = vector.broadcast %parallel_loop3A_321 : f32 to vector<16xf32>
      %parallel_loop3A_323 = arith.mulf %parallel_loop3A_320, %parallel_loop3A_322 : vector<16xf32>
      %parallel_loop3A_324 = arith.index_cast %parallel_loop3A_292 : i32 to index
      %parallel_loop3A_325 = arith.constant 32 : index
      %parallel_loop3A_326 = tpu.vector_load %arg6[%parallel_loop3A_324, %parallel_loop3A_325] {strides = array<i32>} : memref<512x128xf32, #tpu.memory_space<vmem>>, vector<1x16xf32>,
      %parallel_loop3A_327 = vector.shape_cast %parallel_loop3A_326 : vector<1x16xf32> to vector<16xf32>
      %parallel_loop3A_328 = vector.shape_cast %parallel_loop3A_323 : vector<16xf32> to vector<1x16xf32>
      tpu.vector_store %arg6[%parallel_loop3A_324, %parallel_loop3A_325], %parallel_loop3A_328 {strides = array<i32>} : memref<512x128xf32, #tpu.memory_space<vmem>>, vector<1x16xf32>,
      %parallel_loop3A_329 = arith.index_cast %parallel_loop3A_292 : i32 to index
      %parallel_loop3A_330 = arith.constant 48 : index
      %parallel_loop3A_331 = tpu.vector_load %arg6[%parallel_loop3A_329, %parallel_loop3A_330] {strides = array<i32>} : memref<512x128xf32, #tpu.memory_space<vmem>>, vector<1x16xf32>,
      %parallel_loop3A_332 = vector.shape_cast %parallel_loop3A_331 : vector<1x16xf32> to vector<16xf32>
      %parallel_loop3A_333 = arith.constant 11.3137083 : f32
      %parallel_loop3A_334 = vector.broadcast %parallel_loop3A_333 : f32 to vector<16xf32>
      %parallel_loop3A_335 = arith.mulf %parallel_loop3A_332, %parallel_loop3A_334 : vector<16xf32>
      %parallel_loop3A_336 = arith.index_cast %parallel_loop3A_292 : i32 to index
      %parallel_loop3A_337 = arith.constant 48 : index
      %parallel_loop3A_338 = tpu.vector_load %arg6[%parallel_loop3A_336, %parallel_loop3A_337] {strides = array<i32>} : memref<512x128xf32, #tpu.memory_space<vmem>>, vector<1x16xf32>,
      %parallel_loop3A_339 = vector.shape_cast %parallel_loop3A_338 : vector<1x16xf32> to vector<16xf32>
      %parallel_loop3A_340 = vector.shape_cast %parallel_loop3A_335 : vector<16xf32> to vector<1x16xf32>
      tpu.vector_store %arg6[%parallel_loop3A_336, %parallel_loop3A_337], %parallel_loop3A_340 {strides = array<i32>} : memref<512x128xf32, #tpu.memory_space<vmem>>, vector<1x16xf32>,
      %parallel_loop3A_341 = arith.index_cast %parallel_loop3A_292 : i32 to index
      %parallel_loop3A_342 = arith.constant 64 : index
      %parallel_loop3A_343 = tpu.vector_load %arg6[%parallel_loop3A_341, %parallel_loop3A_342] {strides = array<i32>} : memref<512x128xf32, #tpu.memory_space<vmem>>, vector<1x16xf32>,
      %parallel_loop3A_344 = vector.shape_cast %parallel_loop3A_343 : vector<1x16xf32> to vector<16xf32>
      %parallel_loop3A_345 = arith.constant 11.3137083 : f32
      %parallel_loop3A_346 = vector.broadcast %parallel_loop3A_345 : f32 to vector<16xf32>
      %parallel_loop3A_347 = arith.mulf %parallel_loop3A_344, %parallel_loop3A_346 : vector<16xf32>
      %parallel_loop3A_348 = arith.index_cast %parallel_loop3A_292 : i32 to index
      %parallel_loop3A_349 = arith.constant 64 : index
      %parallel_loop3A_350 = tpu.vector_load %arg6[%parallel_loop3A_348, %parallel_loop3A_349] {strides = array<i32>} : memref<512x128xf32, #tpu.memory_space<vmem>>, vector<1x16xf32>,
      %parallel_loop3A_351 = vector.shape_cast %parallel_loop3A_350 : vector<1x16xf32> to vector<16xf32>
      %parallel_loop3A_352 = vector.shape_cast %parallel_loop3A_347 : vector<16xf32> to vector<1x16xf32>
      tpu.vector_store %arg6[%parallel_loop3A_348, %parallel_loop3A_349], %parallel_loop3A_352 {strides = array<i32>} : memref<512x128xf32, #tpu.memory_space<vmem>>, vector<1x16xf32>,
      %parallel_loop3A_353 = arith.index_cast %parallel_loop3A_292 : i32 to index
      %parallel_loop3A_354 = arith.constant 80 : index
      %parallel_loop3A_355 = tpu.vector_load %arg6[%parallel_loop3A_353, %parallel_loop3A_354] {strides = array<i32>} : memref<512x128xf32, #tpu.memory_space<vmem>>, vector<1x16xf32>,
      %parallel_loop3A_356 = vector.shape_cast %parallel_loop3A_355 : vector<1x16xf32> to vector<16xf32>
      %parallel_loop3A_357 = arith.constant 11.3137083 : f32
      %parallel_loop3A_358 = vector.broadcast %parallel_loop3A_357 : f32 to vector<16xf32>
      %parallel_loop3A_359 = arith.mulf %parallel_loop3A_356, %parallel_loop3A_358 : vector<16xf32>
      %parallel_loop3A_360 = arith.index_cast %parallel_loop3A_292 : i32 to index
      %parallel_loop3A_361 = arith.constant 80 : index
      %parallel_loop3A_362 = tpu.vector_load %arg6[%parallel_loop3A_360, %parallel_loop3A_361] {strides = array<i32>} : memref<512x128xf32, #tpu.memory_space<vmem>>, vector<1x16xf32>,
      %parallel_loop3A_363 = vector.shape_cast %parallel_loop3A_362 : vector<1x16xf32> to vector<16xf32>
      %parallel_loop3A_364 = vector.shape_cast %parallel_loop3A_359 : vector<16xf32> to vector<1x16xf32>
      tpu.vector_store %arg6[%parallel_loop3A_360, %parallel_loop3A_361], %parallel_loop3A_364 {strides = array<i32>} : memref<512x128xf32, #tpu.memory_space<vmem>>, vector<1x16xf32>,
      %parallel_loop3A_365 = arith.index_cast %parallel_loop3A_292 : i32 to index
      %parallel_loop3A_366 = arith.constant 96 : index
      %parallel_loop3A_367 = tpu.vector_load %arg6[%parallel_loop3A_365, %parallel_loop3A_366] {strides = array<i32>} : memref<512x128xf32, #tpu.memory_space<vmem>>, vector<1x16xf32>,
      %parallel_loop3A_368 = vector.shape_cast %parallel_loop3A_367 : vector<1x16xf32> to vector<16xf32>
      %parallel_loop3A_369 = arith.constant 11.3137083 : f32
      %parallel_loop3A_370 = vector.broadcast %parallel_loop3A_369 : f32 to vector<16xf32>
      %parallel_loop3A_371 = arith.mulf %parallel_loop3A_368, %parallel_loop3A_370 : vector<16xf32>
      %parallel_loop3A_372 = arith.index_cast %parallel_loop3A_292 : i32 to index
      %parallel_loop3A_373 = arith.constant 96 : index
      %parallel_loop3A_374 = tpu.vector_load %arg6[%parallel_loop3A_372, %parallel_loop3A_373] {strides = array<i32>} : memref<512x128xf32, #tpu.memory_space<vmem>>, vector<1x16xf32>,
      %parallel_loop3A_375 = vector.shape_cast %parallel_loop3A_374 : vector<1x16xf32> to vector<16xf32>
      %parallel_loop3A_376 = vector.shape_cast %parallel_loop3A_371 : vector<16xf32> to vector<1x16xf32>
      tpu.vector_store %arg6[%parallel_loop3A_372, %parallel_loop3A_373], %parallel_loop3A_376 {strides = array<i32>} : memref<512x128xf32, #tpu.memory_space<vmem>>, vector<1x16xf32>,
      %parallel_loop3A_377 = arith.index_cast %parallel_loop3A_292 : i32 to index
      %parallel_loop3A_378 = arith.constant 112 : index
      %parallel_loop3A_379 = tpu.vector_load %arg6[%parallel_loop3A_377, %parallel_loop3A_378] {strides = array<i32>} : memref<512x128xf32, #tpu.memory_space<vmem>>, vector<1x16xf32>,
      %parallel_loop3A_380 = vector.shape_cast %parallel_loop3A_379 : vector<1x16xf32> to vector<16xf32>
      %parallel_loop3A_381 = arith.constant 11.3137083 : f32
      %parallel_loop3A_382 = vector.broadcast %parallel_loop3A_381 : f32 to vector<16xf32>
      %parallel_loop3A_383 = arith.mulf %parallel_loop3A_380, %parallel_loop3A_382 : vector<16xf32>
      %parallel_loop3A_384 = arith.index_cast %parallel_loop3A_292 : i32 to index
      %parallel_loop3A_385 = arith.constant 112 : index
      %parallel_loop3A_386 = tpu.vector_load %arg6[%parallel_loop3A_384, %parallel_loop3A_385] {strides = array<i32>} : memref<512x128xf32, #tpu.memory_space<vmem>>, vector<1x16xf32>,
      %parallel_loop3A_387 = vector.shape_cast %parallel_loop3A_386 : vector<1x16xf32> to vector<16xf32>
      %parallel_loop3A_388 = vector.shape_cast %parallel_loop3A_383 : vector<16xf32> to vector<1x16xf32>
      tpu.vector_store %arg6[%parallel_loop3A_384, %parallel_loop3A_385], %parallel_loop3A_388 {strides = array<i32>} : memref<512x128xf32, #tpu.memory_space<vmem>>, vector<1x16xf32>,
    } {sc.loop_unroll_factor = 2 : i64, sc.parallel_access}
    %add3A_115 = arith.constant 0 : i32
    %add3A_116 = arith.addi %mul3A_2, %add3A_115 : i32
    %dma_start3A_117 = arith.constant 0 : i32
    %dma_start3A_118 = arith.constant 0 : i32
    %dma_start3A_119 = tpu.memref_slice %arg6[%dma_start3A_117, %dma_start3A_118] : memref<512x128xf32, #tpu.memory_space<vmem>> -> memref<64x128xf32, #tpu.memory_space<vmem>>
    %dma_start3A_120 = arith.constant 0 : i32
    %dma_start3A_121 = tpu.memref_slice %arg4[%add3A_116, %dma_start3A_120] : memref<16384x128xf32, #tpu.memory_space<hbm>> -> memref<64x128xf32, #tpu.memory_space<hbm>>
    %dma_start3A_122 = arith.constant 0 : i32
    %dma_start3A_123 = tpu.memref_slice %arg4[%add3A_116, %dma_start3A_122] : memref<16384x128xf32, #tpu.memory_space<hbm>> -> memref<64x128xf32, #tpu.memory_space<hbm>>
    %dma_start3A_124 = arith.constant 0 : i32
    %dma_start3A_125 = arith.constant 0 : i32
    %dma_start3A_126 = tpu.memref_slice %arg6[%dma_start3A_124, %dma_start3A_125] : memref<512x128xf32, #tpu.memory_space<vmem>> -> memref<64x128xf32, #tpu.memory_space<vmem>>
    tpu.enqueue_dma source(%dma_start3A_126 : memref<64x128xf32, #tpu.memory_space<vmem>>) target(%dma_start3A_123 : memref<64x128xf32, #tpu.memory_space<hbm>>) target_semaphore(%arg16 : memref<!tpu.dma_semaphore, #tpu.memory_space<semaphore_mem>>)
    %dma_wait3A_127 = arith.constant 64 : i32
    %dma_wait3A_128 = arith.constant 0 : i32
    %dma_wait3A_129 = tpu.memref_slice %arg6[%dma_wait3A_127, %dma_wait3A_128] : memref<512x128xf32, #tpu.memory_space<vmem>> -> memref<64x128xf32, #tpu.memory_space<vmem>>
    %dma_wait3A_130 = arith.constant 64 : i32
    %dma_wait3A_131 = tpu.memref_slice %arg5[%dma_wait3A_130] : memref<512xi32, #tpu.memory_space<vmem>> -> memref<64xi32, #tpu.memory_space<vmem>>
    %dma_wait3A_132 = arith.constant 0 : i32
    %dma_wait3A_133 = arith.constant 0 : i32
    %dma_wait3A_134 = tpu.memref_slice %arg3[%dma_wait3A_132, %dma_wait3A_133] : memref<1000000x128xf32, #tpu.memory_space<hbm>> -> memref<1000000x128xf32, #tpu.memory_space<hbm>>
    tpu.wait_indirect_dma semaphore(%arg9 : memref<!tpu.dma_semaphore, #tpu.memory_space<semaphore_mem>>) src(%dma_wait3A_134 : memref<1000000x128xf32, #tpu.memory_space<hbm>>) dst(%dma_wait3A_129 : memref<64x128xf32, #tpu.memory_space<vmem>>)
    %parallel_loop3A_135 = arith.constant 64 : i32
    %parallel_loop3A_136 = arith.constant 128 : i32
    %parallel_loop3A_137 = arith.constant 1 : i32
    scf.for %parallel_loop3A_292 = %parallel_loop3A_135 to %parallel_loop3A_136 step %parallel_loop3A_137  : i32 {
      %parallel_loop3A_293 = arith.index_cast %parallel_loop3A_292 : i32 to index
      %parallel_loop3A_294 = arith.constant 0 : index
      %parallel_loop3A_295 = tpu.vector_load %arg6[%parallel_loop3A_293, %parallel_loop3A_294] {strides = array<i32>} : memref<512x128xf32, #tpu.memory_space<vmem>>, vector<1x16xf32>,
      %parallel_loop3A_296 = vector.shape_cast %parallel_loop3A_295 : vector<1x16xf32> to vector<16xf32>
      %parallel_loop3A_297 = arith.constant 11.3137083 : f32
      %parallel_loop3A_298 = vector.broadcast %parallel_loop3A_297 : f32 to vector<16xf32>
      %parallel_loop3A_299 = arith.mulf %parallel_loop3A_296, %parallel_loop3A_298 : vector<16xf32>
      %parallel_loop3A_300 = arith.index_cast %parallel_loop3A_292 : i32 to index
      %parallel_loop3A_301 = arith.constant 0 : index
      %parallel_loop3A_302 = tpu.vector_load %arg6[%parallel_loop3A_300, %parallel_loop3A_301] {strides = array<i32>} : memref<512x128xf32, #tpu.memory_space<vmem>>, vector<1x16xf32>,
      %parallel_loop3A_303 = vector.shape_cast %parallel_loop3A_302 : vector<1x16xf32> to vector<16xf32>
      %parallel_loop3A_304 = vector.shape_cast %parallel_loop3A_299 : vector<16xf32> to vector<1x16xf32>
      tpu.vector_store %arg6[%parallel_loop3A_300, %parallel_loop3A_301], %parallel_loop3A_304 {strides = array<i32>} : memref<512x128xf32, #tpu.memory_space<vmem>>, vector<1x16xf32>,
      %parallel_loop3A_305 = arith.index_cast %parallel_loop3A_292 : i32 to index
      %parallel_loop3A_306 = arith.constant 16 : index
      %parallel_loop3A_307 = tpu.vector_load %arg6[%parallel_loop3A_305, %parallel_loop3A_306] {strides = array<i32>} : memref<512x128xf32, #tpu.memory_space<vmem>>, vector<1x16xf32>,
      %parallel_loop3A_308 = vector.shape_cast %parallel_loop3A_307 : vector<1x16xf32> to vector<16xf32>
      %parallel_loop3A_309 = arith.constant 11.3137083 : f32
      %parallel_loop3A_310 = vector.broadcast %parallel_loop3A_309 : f32 to vector<16xf32>
      %parallel_loop3A_311 = arith.mulf %parallel_loop3A_308, %parallel_loop3A_310 : vector<16xf32>
      %parallel_loop3A_312 = arith.index_cast %parallel_loop3A_292 : i32 to index
      %parallel_loop3A_313 = arith.constant 16 : index
      %parallel_loop3A_314 = tpu.vector_load %arg6[%parallel_loop3A_312, %parallel_loop3A_313] {strides = array<i32>} : memref<512x128xf32, #tpu.memory_space<vmem>>, vector<1x16xf32>,
      %parallel_loop3A_315 = vector.shape_cast %parallel_loop3A_314 : vector<1x16xf32> to vector<16xf32>
      %parallel_loop3A_316 = vector.shape_cast %parallel_loop3A_311 : vector<16xf32> to vector<1x16xf32>
      tpu.vector_store %arg6[%parallel_loop3A_312, %parallel_loop3A_313], %parallel_loop3A_316 {strides = array<i32>} : memref<512x128xf32, #tpu.memory_space<vmem>>, vector<1x16xf32>,
      %parallel_loop3A_317 = arith.index_cast %parallel_loop3A_292 : i32 to index
      %parallel_loop3A_318 = arith.constant 32 : index
      %parallel_loop3A_319 = tpu.vector_load %arg6[%parallel_loop3A_317, %parallel_loop3A_318] {strides = array<i32>} : memref<512x128xf32, #tpu.memory_space<vmem>>, vector<1x16xf32>,
      %parallel_loop3A_320 = vector.shape_cast %parallel_loop3A_319 : vector<1x16xf32> to vector<16xf32>
      %parallel_loop3A_321 = arith.constant 11.3137083 : f32
      %parallel_loop3A_322 = vector.broadcast %parallel_loop3A_321 : f32 to vector<16xf32>
      %parallel_loop3A_323 = arith.mulf %parallel_loop3A_320, %parallel_loop3A_322 : vector<16xf32>
      %parallel_loop3A_324 = arith.index_cast %parallel_loop3A_292 : i32 to index
      %parallel_loop3A_325 = arith.constant 32 : index
      %parallel_loop3A_326 = tpu.vector_load %arg6[%parallel_loop3A_324, %parallel_loop3A_325] {strides = array<i32>} : memref<512x128xf32, #tpu.memory_space<vmem>>, vector<1x16xf32>,
      %parallel_loop3A_327 = vector.shape_cast %parallel_loop3A_326 : vector<1x16xf32> to vector<16xf32>
      %parallel_loop3A_328 = vector.shape_cast %parallel_loop3A_323 : vector<16xf32> to vector<1x16xf32>
      tpu.vector_store %arg6[%parallel_loop3A_324, %parallel_loop3A_325], %parallel_loop3A_328 {strides = array<i32>} : memref<512x128xf32, #tpu.memory_space<vmem>>, vector<1x16xf32>,
      %parallel_loop3A_329 = arith.index_cast %parallel_loop3A_292 : i32 to index
      %parallel_loop3A_330 = arith.constant 48 : index
      %parallel_loop3A_331 = tpu.vector_load %arg6[%parallel_loop3A_329, %parallel_loop3A_330] {strides = array<i32>} : memref<512x128xf32, #tpu.memory_space<vmem>>, vector<1x16xf32>,
      %parallel_loop3A_332 = vector.shape_cast %parallel_loop3A_331 : vector<1x16xf32> to vector<16xf32>
      %parallel_loop3A_333 = arith.constant 11.3137083 : f32
      %parallel_loop3A_334 = vector.broadcast %parallel_loop3A_333 : f32 to vector<16xf32>
      %parallel_loop3A_335 = arith.mulf %parallel_loop3A_332, %parallel_loop3A_334 : vector<16xf32>
      %parallel_loop3A_336 = arith.index_cast %parallel_loop3A_292 : i32 to index
      %parallel_loop3A_337 = arith.constant 48 : index
      %parallel_loop3A_338 = tpu.vector_load %arg6[%parallel_loop3A_336, %parallel_loop3A_337] {strides = array<i32>} : memref<512x128xf32, #tpu.memory_space<vmem>>, vector<1x16xf32>,
      %parallel_loop3A_339 = vector.shape_cast %parallel_loop3A_338 : vector<1x16xf32> to vector<16xf32>
      %parallel_loop3A_340 = vector.shape_cast %parallel_loop3A_335 : vector<16xf32> to vector<1x16xf32>
      tpu.vector_store %arg6[%parallel_loop3A_336, %parallel_loop3A_337], %parallel_loop3A_340 {strides = array<i32>} : memref<512x128xf32, #tpu.memory_space<vmem>>, vector<1x16xf32>,
      %parallel_loop3A_341 = arith.index_cast %parallel_loop3A_292 : i32 to index
      %parallel_loop3A_342 = arith.constant 64 : index
      %parallel_loop3A_343 = tpu.vector_load %arg6[%parallel_loop3A_341, %parallel_loop3A_342] {strides = array<i32>} : memref<512x128xf32, #tpu.memory_space<vmem>>, vector<1x16xf32>,
      %parallel_loop3A_344 = vector.shape_cast %parallel_loop3A_343 : vector<1x16xf32> to vector<16xf32>
      %parallel_loop3A_345 = arith.constant 11.3137083 : f32
      %parallel_loop3A_346 = vector.broadcast %parallel_loop3A_345 : f32 to vector<16xf32>
      %parallel_loop3A_347 = arith.mulf %parallel_loop3A_344, %parallel_loop3A_346 : vector<16xf32>
      %parallel_loop3A_348 = arith.index_cast %parallel_loop3A_292 : i32 to index
      %parallel_loop3A_349 = arith.constant 64 : index
      %parallel_loop3A_350 = tpu.vector_load %arg6[%parallel_loop3A_348, %parallel_loop3A_349] {strides = array<i32>} : memref<512x128xf32, #tpu.memory_space<vmem>>, vector<1x16xf32>,
      %parallel_loop3A_351 = vector.shape_cast %parallel_loop3A_350 : vector<1x16xf32> to vector<16xf32>
      %parallel_loop3A_352 = vector.shape_cast %parallel_loop3A_347 : vector<16xf32> to vector<1x16xf32>
      tpu.vector_store %arg6[%parallel_loop3A_348, %parallel_loop3A_349], %parallel_loop3A_352 {strides = array<i32>} : memref<512x128xf32, #tpu.memory_space<vmem>>, vector<1x16xf32>,
      %parallel_loop3A_353 = arith.index_cast %parallel_loop3A_292 : i32 to index
      %parallel_loop3A_354 = arith.constant 80 : index
      %parallel_loop3A_355 = tpu.vector_load %arg6[%parallel_loop3A_353, %parallel_loop3A_354] {strides = array<i32>} : memref<512x128xf32, #tpu.memory_space<vmem>>, vector<1x16xf32>,
      %parallel_loop3A_356 = vector.shape_cast %parallel_loop3A_355 : vector<1x16xf32> to vector<16xf32>
      %parallel_loop3A_357 = arith.constant 11.3137083 : f32
      %parallel_loop3A_358 = vector.broadcast %parallel_loop3A_357 : f32 to vector<16xf32>
      %parallel_loop3A_359 = arith.mulf %parallel_loop3A_356, %parallel_loop3A_358 : vector<16xf32>
      %parallel_loop3A_360 = arith.index_cast %parallel_loop3A_292 : i32 to index
      %parallel_loop3A_361 = arith.constant 80 : index
      %parallel_loop3A_362 = tpu.vector_load %arg6[%parallel_loop3A_360, %parallel_loop3A_361] {strides = array<i32>} : memref<512x128xf32, #tpu.memory_space<vmem>>, vector<1x16xf32>,
      %parallel_loop3A_363 = vector.shape_cast %parallel_loop3A_362 : vector<1x16xf32> to vector<16xf32>
      %parallel_loop3A_364 = vector.shape_cast %parallel_loop3A_359 : vector<16xf32> to vector<1x16xf32>
      tpu.vector_store %arg6[%parallel_loop3A_360, %parallel_loop3A_361], %parallel_loop3A_364 {strides = array<i32>} : memref<512x128xf32, #tpu.memory_space<vmem>>, vector<1x16xf32>,
      %parallel_loop3A_365 = arith.index_cast %parallel_loop3A_292 : i32 to index
      %parallel_loop3A_366 = arith.constant 96 : index
      %parallel_loop3A_367 = tpu.vector_load %arg6[%parallel_loop3A_365, %parallel_loop3A_366] {strides = array<i32>} : memref<512x128xf32, #tpu.memory_space<vmem>>, vector<1x16xf32>,
      %parallel_loop3A_368 = vector.shape_cast %parallel_loop3A_367 : vector<1x16xf32> to vector<16xf32>
      %parallel_loop3A_369 = arith.constant 11.3137083 : f32
      %parallel_loop3A_370 = vector.broadcast %parallel_loop3A_369 : f32 to vector<16xf32>
      %parallel_loop3A_371 = arith.mulf %parallel_loop3A_368, %parallel_loop3A_370 : vector<16xf32>
      %parallel_loop3A_372 = arith.index_cast %parallel_loop3A_292 : i32 to index
      %parallel_loop3A_373 = arith.constant 96 : index
      %parallel_loop3A_374 = tpu.vector_load %arg6[%parallel_loop3A_372, %parallel_loop3A_373] {strides = array<i32>} : memref<512x128xf32, #tpu.memory_space<vmem>>, vector<1x16xf32>,
      %parallel_loop3A_375 = vector.shape_cast %parallel_loop3A_374 : vector<1x16xf32> to vector<16xf32>
      %parallel_loop3A_376 = vector.shape_cast %parallel_loop3A_371 : vector<16xf32> to vector<1x16xf32>
      tpu.vector_store %arg6[%parallel_loop3A_372, %parallel_loop3A_373], %parallel_loop3A_376 {strides = array<i32>} : memref<512x128xf32, #tpu.memory_space<vmem>>, vector<1x16xf32>,
      %parallel_loop3A_377 = arith.index_cast %parallel_loop3A_292 : i32 to index
      %parallel_loop3A_378 = arith.constant 112 : index
      %parallel_loop3A_379 = tpu.vector_load %arg6[%parallel_loop3A_377, %parallel_loop3A_378] {strides = array<i32>} : memref<512x128xf32, #tpu.memory_space<vmem>>, vector<1x16xf32>,
      %parallel_loop3A_380 = vector.shape_cast %parallel_loop3A_379 : vector<1x16xf32> to vector<16xf32>
      %parallel_loop3A_381 = arith.constant 11.3137083 : f32
      %parallel_loop3A_382 = vector.broadcast %parallel_loop3A_381 : f32 to vector<16xf32>
      %parallel_loop3A_383 = arith.mulf %parallel_loop3A_380, %parallel_loop3A_382 : vector<16xf32>
      %parallel_loop3A_384 = arith.index_cast %parallel_loop3A_292 : i32 to index
      %parallel_loop3A_385 = arith.constant 112 : index
      %parallel_loop3A_386 = tpu.vector_load %arg6[%parallel_loop3A_384, %parallel_loop3A_385] {strides = array<i32>} : memref<512x128xf32, #tpu.memory_space<vmem>>, vector<1x16xf32>,
      %parallel_loop3A_387 = vector.shape_cast %parallel_loop3A_386 : vector<1x16xf32> to vector<16xf32>
      %parallel_loop3A_388 = vector.shape_cast %parallel_loop3A_383 : vector<16xf32> to vector<1x16xf32>
      tpu.vector_store %arg6[%parallel_loop3A_384, %parallel_loop3A_385], %parallel_loop3A_388 {strides = array<i32>} : memref<512x128xf32, #tpu.memory_space<vmem>>, vector<1x16xf32>,
    } {sc.loop_unroll_factor = 2 : i64, sc.parallel_access}
    %add3A_138 = arith.constant 64 : i32
    %add3A_139 = arith.addi %mul3A_2, %add3A_138 : i32
    %dma_start3A_140 = arith.constant 64 : i32
    %dma_start3A_141 = arith.constant 0 : i32
    %dma_start3A_142 = tpu.memref_slice %arg6[%dma_start3A_140, %dma_start3A_141] : memref<512x128xf32, #tpu.memory_space<vmem>> -> memref<64x128xf32, #tpu.memory_space<vmem>>
    %dma_start3A_143 = arith.constant 0 : i32
    %dma_start3A_144 = tpu.memref_slice %arg4[%add3A_139, %dma_start3A_143] : memref<16384x128xf32, #tpu.memory_space<hbm>> -> memref<64x128xf32, #tpu.memory_space<hbm>>
    %dma_start3A_145 = arith.constant 0 : i32
    %dma_start3A_146 = tpu.memref_slice %arg4[%add3A_139, %dma_start3A_145] : memref<16384x128xf32, #tpu.memory_space<hbm>> -> memref<64x128xf32, #tpu.memory_space<hbm>>
    %dma_start3A_147 = arith.constant 64 : i32
    %dma_start3A_148 = arith.constant 0 : i32
    %dma_start3A_149 = tpu.memref_slice %arg6[%dma_start3A_147, %dma_start3A_148] : memref<512x128xf32, #tpu.memory_space<vmem>> -> memref<64x128xf32, #tpu.memory_space<vmem>>
    tpu.enqueue_dma source(%dma_start3A_149 : memref<64x128xf32, #tpu.memory_space<vmem>>) target(%dma_start3A_146 : memref<64x128xf32, #tpu.memory_space<hbm>>) target_semaphore(%arg16 : memref<!tpu.dma_semaphore, #tpu.memory_space<semaphore_mem>>)
    %dma_wait3A_150 = arith.constant 128 : i32
    %dma_wait3A_151 = arith.constant 0 : i32
    %dma_wait3A_152 = tpu.memref_slice %arg6[%dma_wait3A_150, %dma_wait3A_151] : memref<512x128xf32, #tpu.memory_space<vmem>> -> memref<64x128xf32, #tpu.memory_space<vmem>>
    %dma_wait3A_153 = arith.constant 128 : i32
    %dma_wait3A_154 = tpu.memref_slice %arg5[%dma_wait3A_153] : memref<512xi32, #tpu.memory_space<vmem>> -> memref<64xi32, #tpu.memory_space<vmem>>
    %dma_wait3A_155 = arith.constant 0 : i32
    %dma_wait3A_156 = arith.constant 0 : i32
    %dma_wait3A_157 = tpu.memref_slice %arg3[%dma_wait3A_155, %dma_wait3A_156] : memref<1000000x128xf32, #tpu.memory_space<hbm>> -> memref<1000000x128xf32, #tpu.memory_space<hbm>>
    tpu.wait_indirect_dma semaphore(%arg10 : memref<!tpu.dma_semaphore, #tpu.memory_space<semaphore_mem>>) src(%dma_wait3A_157 : memref<1000000x128xf32, #tpu.memory_space<hbm>>) dst(%dma_wait3A_152 : memref<64x128xf32, #tpu.memory_space<vmem>>)
    %parallel_loop3A_158 = arith.constant 128 : i32
    %parallel_loop3A_159 = arith.constant 192 : i32
    %parallel_loop3A_160 = arith.constant 1 : i32
    scf.for %parallel_loop3A_292 = %parallel_loop3A_158 to %parallel_loop3A_159 step %parallel_loop3A_160  : i32 {
      %parallel_loop3A_293 = arith.index_cast %parallel_loop3A_292 : i32 to index
      %parallel_loop3A_294 = arith.constant 0 : index
      %parallel_loop3A_295 = tpu.vector_load %arg6[%parallel_loop3A_293, %parallel_loop3A_294] {strides = array<i32>} : memref<512x128xf32, #tpu.memory_space<vmem>>, vector<1x16xf32>,
      %parallel_loop3A_296 = vector.shape_cast %parallel_loop3A_295 : vector<1x16xf32> to vector<16xf32>
      %parallel_loop3A_297 = arith.constant 11.3137083 : f32
      %parallel_loop3A_298 = vector.broadcast %parallel_loop3A_297 : f32 to vector<16xf32>
      %parallel_loop3A_299 = arith.mulf %parallel_loop3A_296, %parallel_loop3A_298 : vector<16xf32>
      %parallel_loop3A_300 = arith.index_cast %parallel_loop3A_292 : i32 to index
      %parallel_loop3A_301 = arith.constant 0 : index
      %parallel_loop3A_302 = tpu.vector_load %arg6[%parallel_loop3A_300, %parallel_loop3A_301] {strides = array<i32>} : memref<512x128xf32, #tpu.memory_space<vmem>>, vector<1x16xf32>,
      %parallel_loop3A_303 = vector.shape_cast %parallel_loop3A_302 : vector<1x16xf32> to vector<16xf32>
      %parallel_loop3A_304 = vector.shape_cast %parallel_loop3A_299 : vector<16xf32> to vector<1x16xf32>
      tpu.vector_store %arg6[%parallel_loop3A_300, %parallel_loop3A_301], %parallel_loop3A_304 {strides = array<i32>} : memref<512x128xf32, #tpu.memory_space<vmem>>, vector<1x16xf32>,
      %parallel_loop3A_305 = arith.index_cast %parallel_loop3A_292 : i32 to index
      %parallel_loop3A_306 = arith.constant 16 : index
      %parallel_loop3A_307 = tpu.vector_load %arg6[%parallel_loop3A_305, %parallel_loop3A_306] {strides = array<i32>} : memref<512x128xf32, #tpu.memory_space<vmem>>, vector<1x16xf32>,
      %parallel_loop3A_308 = vector.shape_cast %parallel_loop3A_307 : vector<1x16xf32> to vector<16xf32>
      %parallel_loop3A_309 = arith.constant 11.3137083 : f32
      %parallel_loop3A_310 = vector.broadcast %parallel_loop3A_309 : f32 to vector<16xf32>
      %parallel_loop3A_311 = arith.mulf %parallel_loop3A_308, %parallel_loop3A_310 : vector<16xf32>
      %parallel_loop3A_312 = arith.index_cast %parallel_loop3A_292 : i32 to index
      %parallel_loop3A_313 = arith.constant 16 : index
      %parallel_loop3A_314 = tpu.vector_load %arg6[%parallel_loop3A_312, %parallel_loop3A_313] {strides = array<i32>} : memref<512x128xf32, #tpu.memory_space<vmem>>, vector<1x16xf32>,
      %parallel_loop3A_315 = vector.shape_cast %parallel_loop3A_314 : vector<1x16xf32> to vector<16xf32>
      %parallel_loop3A_316 = vector.shape_cast %parallel_loop3A_311 : vector<16xf32> to vector<1x16xf32>
      tpu.vector_store %arg6[%parallel_loop3A_312, %parallel_loop3A_313], %parallel_loop3A_316 {strides = array<i32>} : memref<512x128xf32, #tpu.memory_space<vmem>>, vector<1x16xf32>,
      %parallel_loop3A_317 = arith.index_cast %parallel_loop3A_292 : i32 to index
      %parallel_loop3A_318 = arith.constant 32 : index
      %parallel_loop3A_319 = tpu.vector_load %arg6[%parallel_loop3A_317, %parallel_loop3A_318] {strides = array<i32>} : memref<512x128xf32, #tpu.memory_space<vmem>>, vector<1x16xf32>,
      %parallel_loop3A_320 = vector.shape_cast %parallel_loop3A_319 : vector<1x16xf32> to vector<16xf32>
      %parallel_loop3A_321 = arith.constant 11.3137083 : f32
      %parallel_loop3A_322 = vector.broadcast %parallel_loop3A_321 : f32 to vector<16xf32>
      %parallel_loop3A_323 = arith.mulf %parallel_loop3A_320, %parallel_loop3A_322 : vector<16xf32>
      %parallel_loop3A_324 = arith.index_cast %parallel_loop3A_292 : i32 to index
      %parallel_loop3A_325 = arith.constant 32 : index
      %parallel_loop3A_326 = tpu.vector_load %arg6[%parallel_loop3A_324, %parallel_loop3A_325] {strides = array<i32>} : memref<512x128xf32, #tpu.memory_space<vmem>>, vector<1x16xf32>,
      %parallel_loop3A_327 = vector.shape_cast %parallel_loop3A_326 : vector<1x16xf32> to vector<16xf32>
      %parallel_loop3A_328 = vector.shape_cast %parallel_loop3A_323 : vector<16xf32> to vector<1x16xf32>
      tpu.vector_store %arg6[%parallel_loop3A_324, %parallel_loop3A_325], %parallel_loop3A_328 {strides = array<i32>} : memref<512x128xf32, #tpu.memory_space<vmem>>, vector<1x16xf32>,
      %parallel_loop3A_329 = arith.index_cast %parallel_loop3A_292 : i32 to index
      %parallel_loop3A_330 = arith.constant 48 : index
      %parallel_loop3A_331 = tpu.vector_load %arg6[%parallel_loop3A_329, %parallel_loop3A_330] {strides = array<i32>} : memref<512x128xf32, #tpu.memory_space<vmem>>, vector<1x16xf32>,
      %parallel_loop3A_332 = vector.shape_cast %parallel_loop3A_331 : vector<1x16xf32> to vector<16xf32>
      %parallel_loop3A_333 = arith.constant 11.3137083 : f32
      %parallel_loop3A_334 = vector.broadcast %parallel_loop3A_333 : f32 to vector<16xf32>
      %parallel_loop3A_335 = arith.mulf %parallel_loop3A_332, %parallel_loop3A_334 : vector<16xf32>
      %parallel_loop3A_336 = arith.index_cast %parallel_loop3A_292 : i32 to index
      %parallel_loop3A_337 = arith.constant 48 : index
      %parallel_loop3A_338 = tpu.vector_load %arg6[%parallel_loop3A_336, %parallel_loop3A_337] {strides = array<i32>} : memref<512x128xf32, #tpu.memory_space<vmem>>, vector<1x16xf32>,
      %parallel_loop3A_339 = vector.shape_cast %parallel_loop3A_338 : vector<1x16xf32> to vector<16xf32>
      %parallel_loop3A_340 = vector.shape_cast %parallel_loop3A_335 : vector<16xf32> to vector<1x16xf32>
      tpu.vector_store %arg6[%parallel_loop3A_336, %parallel_loop3A_337], %parallel_loop3A_340 {strides = array<i32>} : memref<512x128xf32, #tpu.memory_space<vmem>>, vector<1x16xf32>,
      %parallel_loop3A_341 = arith.index_cast %parallel_loop3A_292 : i32 to index
      %parallel_loop3A_342 = arith.constant 64 : index
      %parallel_loop3A_343 = tpu.vector_load %arg6[%parallel_loop3A_341, %parallel_loop3A_342] {strides = array<i32>} : memref<512x128xf32, #tpu.memory_space<vmem>>, vector<1x16xf32>,
      %parallel_loop3A_344 = vector.shape_cast %parallel_loop3A_343 : vector<1x16xf32> to vector<16xf32>
      %parallel_loop3A_345 = arith.constant 11.3137083 : f32
      %parallel_loop3A_346 = vector.broadcast %parallel_loop3A_345 : f32 to vector<16xf32>
      %parallel_loop3A_347 = arith.mulf %parallel_loop3A_344, %parallel_loop3A_346 : vector<16xf32>
      %parallel_loop3A_348 = arith.index_cast %parallel_loop3A_292 : i32 to index
      %parallel_loop3A_349 = arith.constant 64 : index
      %parallel_loop3A_350 = tpu.vector_load %arg6[%parallel_loop3A_348, %parallel_loop3A_349] {strides = array<i32>} : memref<512x128xf32, #tpu.memory_space<vmem>>, vector<1x16xf32>,
      %parallel_loop3A_351 = vector.shape_cast %parallel_loop3A_350 : vector<1x16xf32> to vector<16xf32>
      %parallel_loop3A_352 = vector.shape_cast %parallel_loop3A_347 : vector<16xf32> to vector<1x16xf32>
      tpu.vector_store %arg6[%parallel_loop3A_348, %parallel_loop3A_349], %parallel_loop3A_352 {strides = array<i32>} : memref<512x128xf32, #tpu.memory_space<vmem>>, vector<1x16xf32>,
      %parallel_loop3A_353 = arith.index_cast %parallel_loop3A_292 : i32 to index
      %parallel_loop3A_354 = arith.constant 80 : index
      %parallel_loop3A_355 = tpu.vector_load %arg6[%parallel_loop3A_353, %parallel_loop3A_354] {strides = array<i32>} : memref<512x128xf32, #tpu.memory_space<vmem>>, vector<1x16xf32>,
      %parallel_loop3A_356 = vector.shape_cast %parallel_loop3A_355 : vector<1x16xf32> to vector<16xf32>
      %parallel_loop3A_357 = arith.constant 11.3137083 : f32
      %parallel_loop3A_358 = vector.broadcast %parallel_loop3A_357 : f32 to vector<16xf32>
      %parallel_loop3A_359 = arith.mulf %parallel_loop3A_356, %parallel_loop3A_358 : vector<16xf32>
      %parallel_loop3A_360 = arith.index_cast %parallel_loop3A_292 : i32 to index
      %parallel_loop3A_361 = arith.constant 80 : index
      %parallel_loop3A_362 = tpu.vector_load %arg6[%parallel_loop3A_360, %parallel_loop3A_361] {strides = array<i32>} : memref<512x128xf32, #tpu.memory_space<vmem>>, vector<1x16xf32>,
      %parallel_loop3A_363 = vector.shape_cast %parallel_loop3A_362 : vector<1x16xf32> to vector<16xf32>
      %parallel_loop3A_364 = vector.shape_cast %parallel_loop3A_359 : vector<16xf32> to vector<1x16xf32>
      tpu.vector_store %arg6[%parallel_loop3A_360, %parallel_loop3A_361], %parallel_loop3A_364 {strides = array<i32>} : memref<512x128xf32, #tpu.memory_space<vmem>>, vector<1x16xf32>,
      %parallel_loop3A_365 = arith.index_cast %parallel_loop3A_292 : i32 to index
      %parallel_loop3A_366 = arith.constant 96 : index
      %parallel_loop3A_367 = tpu.vector_load %arg6[%parallel_loop3A_365, %parallel_loop3A_366] {strides = array<i32>} : memref<512x128xf32, #tpu.memory_space<vmem>>, vector<1x16xf32>,
      %parallel_loop3A_368 = vector.shape_cast %parallel_loop3A_367 : vector<1x16xf32> to vector<16xf32>
      %parallel_loop3A_369 = arith.constant 11.3137083 : f32
      %parallel_loop3A_370 = vector.broadcast %parallel_loop3A_369 : f32 to vector<16xf32>
      %parallel_loop3A_371 = arith.mulf %parallel_loop3A_368, %parallel_loop3A_370 : vector<16xf32>
      %parallel_loop3A_372 = arith.index_cast %parallel_loop3A_292 : i32 to index
      %parallel_loop3A_373 = arith.constant 96 : index
      %parallel_loop3A_374 = tpu.vector_load %arg6[%parallel_loop3A_372, %parallel_loop3A_373] {strides = array<i32>} : memref<512x128xf32, #tpu.memory_space<vmem>>, vector<1x16xf32>,
      %parallel_loop3A_375 = vector.shape_cast %parallel_loop3A_374 : vector<1x16xf32> to vector<16xf32>
      %parallel_loop3A_376 = vector.shape_cast %parallel_loop3A_371 : vector<16xf32> to vector<1x16xf32>
      tpu.vector_store %arg6[%parallel_loop3A_372, %parallel_loop3A_373], %parallel_loop3A_376 {strides = array<i32>} : memref<512x128xf32, #tpu.memory_space<vmem>>, vector<1x16xf32>,
      %parallel_loop3A_377 = arith.index_cast %parallel_loop3A_292 : i32 to index
      %parallel_loop3A_378 = arith.constant 112 : index
      %parallel_loop3A_379 = tpu.vector_load %arg6[%parallel_loop3A_377, %parallel_loop3A_378] {strides = array<i32>} : memref<512x128xf32, #tpu.memory_space<vmem>>, vector<1x16xf32>,
      %parallel_loop3A_380 = vector.shape_cast %parallel_loop3A_379 : vector<1x16xf32> to vector<16xf32>
      %parallel_loop3A_381 = arith.constant 11.3137083 : f32
      %parallel_loop3A_382 = vector.broadcast %parallel_loop3A_381 : f32 to vector<16xf32>
      %parallel_loop3A_383 = arith.mulf %parallel_loop3A_380, %parallel_loop3A_382 : vector<16xf32>
      %parallel_loop3A_384 = arith.index_cast %parallel_loop3A_292 : i32 to index
      %parallel_loop3A_385 = arith.constant 112 : index
      %parallel_loop3A_386 = tpu.vector_load %arg6[%parallel_loop3A_384, %parallel_loop3A_385] {strides = array<i32>} : memref<512x128xf32, #tpu.memory_space<vmem>>, vector<1x16xf32>,
      %parallel_loop3A_387 = vector.shape_cast %parallel_loop3A_386 : vector<1x16xf32> to vector<16xf32>
      %parallel_loop3A_388 = vector.shape_cast %parallel_loop3A_383 : vector<16xf32> to vector<1x16xf32>
      tpu.vector_store %arg6[%parallel_loop3A_384, %parallel_loop3A_385], %parallel_loop3A_388 {strides = array<i32>} : memref<512x128xf32, #tpu.memory_space<vmem>>, vector<1x16xf32>,
    } {sc.loop_unroll_factor = 2 : i64, sc.parallel_access}
    %add3A_161 = arith.constant 128 : i32
    %add3A_162 = arith.addi %mul3A_2, %add3A_161 : i32
    %dma_start3A_163 = arith.constant 128 : i32
    %dma_start3A_164 = arith.constant 0 : i32
    %dma_start3A_165 = tpu.memref_slice %arg6[%dma_start3A_163, %dma_start3A_164] : memref<512x128xf32, #tpu.memory_space<vmem>> -> memref<64x128xf32, #tpu.memory_space<vmem>>
    %dma_start3A_166 = arith.constant 0 : i32
    %dma_start3A_167 = tpu.memref_slice %arg4[%add3A_162, %dma_start3A_166] : memref<16384x128xf32, #tpu.memory_space<hbm>> -> memref<64x128xf32, #tpu.memory_space<hbm>>
    %dma_start3A_168 = arith.constant 0 : i32
    %dma_start3A_169 = tpu.memref_slice %arg4[%add3A_162, %dma_start3A_168] : memref<16384x128xf32, #tpu.memory_space<hbm>> -> memref<64x128xf32, #tpu.memory_space<hbm>>
    %dma_start3A_170 = arith.constant 128 : i32
    %dma_start3A_171 = arith.constant 0 : i32
    %dma_start3A_172 = tpu.memref_slice %arg6[%dma_start3A_170, %dma_start3A_171] : memref<512x128xf32, #tpu.memory_space<vmem>> -> memref<64x128xf32, #tpu.memory_space<vmem>>
    tpu.enqueue_dma source(%dma_start3A_172 : memref<64x128xf32, #tpu.memory_space<vmem>>) target(%dma_start3A_169 : memref<64x128xf32, #tpu.memory_space<hbm>>) target_semaphore(%arg16 : memref<!tpu.dma_semaphore, #tpu.memory_space<semaphore_mem>>)
    %dma_wait3A_173 = arith.constant 192 : i32
    %dma_wait3A_174 = arith.constant 0 : i32
    %dma_wait3A_175 = tpu.memref_slice %arg6[%dma_wait3A_173, %dma_wait3A_174] : memref<512x128xf32, #tpu.memory_space<vmem>> -> memref<64x128xf32, #tpu.memory_space<vmem>>
    %dma_wait3A_176 = arith.constant 192 : i32
    %dma_wait3A_177 = tpu.memref_slice %arg5[%dma_wait3A_176] : memref<512xi32, #tpu.memory_space<vmem>> -> memref<64xi32, #tpu.memory_space<vmem>>
    %dma_wait3A_178 = arith.constant 0 : i32
    %dma_wait3A_179 = arith.constant 0 : i32
    %dma_wait3A_180 = tpu.memref_slice %arg3[%dma_wait3A_178, %dma_wait3A_179] : memref<1000000x128xf32, #tpu.memory_space<hbm>> -> memref<1000000x128xf32, #tpu.memory_space<hbm>>
    tpu.wait_indirect_dma semaphore(%arg11 : memref<!tpu.dma_semaphore, #tpu.memory_space<semaphore_mem>>) src(%dma_wait3A_180 : memref<1000000x128xf32, #tpu.memory_space<hbm>>) dst(%dma_wait3A_175 : memref<64x128xf32, #tpu.memory_space<vmem>>)
    %parallel_loop3A_181 = arith.constant 192 : i32
    %parallel_loop3A_182 = arith.constant 256 : i32
    %parallel_loop3A_183 = arith.constant 1 : i32
    scf.for %parallel_loop3A_292 = %parallel_loop3A_181 to %parallel_loop3A_182 step %parallel_loop3A_183  : i32 {
      %parallel_loop3A_293 = arith.index_cast %parallel_loop3A_292 : i32 to index
      %parallel_loop3A_294 = arith.constant 0 : index
      %parallel_loop3A_295 = tpu.vector_load %arg6[%parallel_loop3A_293, %parallel_loop3A_294] {strides = array<i32>} : memref<512x128xf32, #tpu.memory_space<vmem>>, vector<1x16xf32>,
      %parallel_loop3A_296 = vector.shape_cast %parallel_loop3A_295 : vector<1x16xf32> to vector<16xf32>
      %parallel_loop3A_297 = arith.constant 11.3137083 : f32
      %parallel_loop3A_298 = vector.broadcast %parallel_loop3A_297 : f32 to vector<16xf32>
      %parallel_loop3A_299 = arith.mulf %parallel_loop3A_296, %parallel_loop3A_298 : vector<16xf32>
      %parallel_loop3A_300 = arith.index_cast %parallel_loop3A_292 : i32 to index
      %parallel_loop3A_301 = arith.constant 0 : index
      %parallel_loop3A_302 = tpu.vector_load %arg6[%parallel_loop3A_300, %parallel_loop3A_301] {strides = array<i32>} : memref<512x128xf32, #tpu.memory_space<vmem>>, vector<1x16xf32>,
      %parallel_loop3A_303 = vector.shape_cast %parallel_loop3A_302 : vector<1x16xf32> to vector<16xf32>
      %parallel_loop3A_304 = vector.shape_cast %parallel_loop3A_299 : vector<16xf32> to vector<1x16xf32>
      tpu.vector_store %arg6[%parallel_loop3A_300, %parallel_loop3A_301], %parallel_loop3A_304 {strides = array<i32>} : memref<512x128xf32, #tpu.memory_space<vmem>>, vector<1x16xf32>,
      %parallel_loop3A_305 = arith.index_cast %parallel_loop3A_292 : i32 to index
      %parallel_loop3A_306 = arith.constant 16 : index
      %parallel_loop3A_307 = tpu.vector_load %arg6[%parallel_loop3A_305, %parallel_loop3A_306] {strides = array<i32>} : memref<512x128xf32, #tpu.memory_space<vmem>>, vector<1x16xf32>,
      %parallel_loop3A_308 = vector.shape_cast %parallel_loop3A_307 : vector<1x16xf32> to vector<16xf32>
      %parallel_loop3A_309 = arith.constant 11.3137083 : f32
      %parallel_loop3A_310 = vector.broadcast %parallel_loop3A_309 : f32 to vector<16xf32>
      %parallel_loop3A_311 = arith.mulf %parallel_loop3A_308, %parallel_loop3A_310 : vector<16xf32>
      %parallel_loop3A_312 = arith.index_cast %parallel_loop3A_292 : i32 to index
      %parallel_loop3A_313 = arith.constant 16 : index
      %parallel_loop3A_314 = tpu.vector_load %arg6[%parallel_loop3A_312, %parallel_loop3A_313] {strides = array<i32>} : memref<512x128xf32, #tpu.memory_space<vmem>>, vector<1x16xf32>,
      %parallel_loop3A_315 = vector.shape_cast %parallel_loop3A_314 : vector<1x16xf32> to vector<16xf32>
      %parallel_loop3A_316 = vector.shape_cast %parallel_loop3A_311 : vector<16xf32> to vector<1x16xf32>
      tpu.vector_store %arg6[%parallel_loop3A_312, %parallel_loop3A_313], %parallel_loop3A_316 {strides = array<i32>} : memref<512x128xf32, #tpu.memory_space<vmem>>, vector<1x16xf32>,
      %parallel_loop3A_317 = arith.index_cast %parallel_loop3A_292 : i32 to index
      %parallel_loop3A_318 = arith.constant 32 : index
      %parallel_loop3A_319 = tpu.vector_load %arg6[%parallel_loop3A_317, %parallel_loop3A_318] {strides = array<i32>} : memref<512x128xf32, #tpu.memory_space<vmem>>, vector<1x16xf32>,
      %parallel_loop3A_320 = vector.shape_cast %parallel_loop3A_319 : vector<1x16xf32> to vector<16xf32>
      %parallel_loop3A_321 = arith.constant 11.3137083 : f32
      %parallel_loop3A_322 = vector.broadcast %parallel_loop3A_321 : f32 to vector<16xf32>
      %parallel_loop3A_323 = arith.mulf %parallel_loop3A_320, %parallel_loop3A_322 : vector<16xf32>
      %parallel_loop3A_324 = arith.index_cast %parallel_loop3A_292 : i32 to index
      %parallel_loop3A_325 = arith.constant 32 : index
      %parallel_loop3A_326 = tpu.vector_load %arg6[%parallel_loop3A_324, %parallel_loop3A_325] {strides = array<i32>} : memref<512x128xf32, #tpu.memory_space<vmem>>, vector<1x16xf32>,
      %parallel_loop3A_327 = vector.shape_cast %parallel_loop3A_326 : vector<1x16xf32> to vector<16xf32>
      %parallel_loop3A_328 = vector.shape_cast %parallel_loop3A_323 : vector<16xf32> to vector<1x16xf32>
      tpu.vector_store %arg6[%parallel_loop3A_324, %parallel_loop3A_325], %parallel_loop3A_328 {strides = array<i32>} : memref<512x128xf32, #tpu.memory_space<vmem>>, vector<1x16xf32>,
      %parallel_loop3A_329 = arith.index_cast %parallel_loop3A_292 : i32 to index
      %parallel_loop3A_330 = arith.constant 48 : index
      %parallel_loop3A_331 = tpu.vector_load %arg6[%parallel_loop3A_329, %parallel_loop3A_330] {strides = array<i32>} : memref<512x128xf32, #tpu.memory_space<vmem>>, vector<1x16xf32>,
      %parallel_loop3A_332 = vector.shape_cast %parallel_loop3A_331 : vector<1x16xf32> to vector<16xf32>
      %parallel_loop3A_333 = arith.constant 11.3137083 : f32
      %parallel_loop3A_334 = vector.broadcast %parallel_loop3A_333 : f32 to vector<16xf32>
      %parallel_loop3A_335 = arith.mulf %parallel_loop3A_332, %parallel_loop3A_334 : vector<16xf32>
      %parallel_loop3A_336 = arith.index_cast %parallel_loop3A_292 : i32 to index
      %parallel_loop3A_337 = arith.constant 48 : index
      %parallel_loop3A_338 = tpu.vector_load %arg6[%parallel_loop3A_336, %parallel_loop3A_337] {strides = array<i32>} : memref<512x128xf32, #tpu.memory_space<vmem>>, vector<1x16xf32>,
      %parallel_loop3A_339 = vector.shape_cast %parallel_loop3A_338 : vector<1x16xf32> to vector<16xf32>
      %parallel_loop3A_340 = vector.shape_cast %parallel_loop3A_335 : vector<16xf32> to vector<1x16xf32>
      tpu.vector_store %arg6[%parallel_loop3A_336, %parallel_loop3A_337], %parallel_loop3A_340 {strides = array<i32>} : memref<512x128xf32, #tpu.memory_space<vmem>>, vector<1x16xf32>,
      %parallel_loop3A_341 = arith.index_cast %parallel_loop3A_292 : i32 to index
      %parallel_loop3A_342 = arith.constant 64 : index
      %parallel_loop3A_343 = tpu.vector_load %arg6[%parallel_loop3A_341, %parallel_loop3A_342] {strides = array<i32>} : memref<512x128xf32, #tpu.memory_space<vmem>>, vector<1x16xf32>,
      %parallel_loop3A_344 = vector.shape_cast %parallel_loop3A_343 : vector<1x16xf32> to vector<16xf32>
      %parallel_loop3A_345 = arith.constant 11.3137083 : f32
      %parallel_loop3A_346 = vector.broadcast %parallel_loop3A_345 : f32 to vector<16xf32>
      %parallel_loop3A_347 = arith.mulf %parallel_loop3A_344, %parallel_loop3A_346 : vector<16xf32>
      %parallel_loop3A_348 = arith.index_cast %parallel_loop3A_292 : i32 to index
      %parallel_loop3A_349 = arith.constant 64 : index
      %parallel_loop3A_350 = tpu.vector_load %arg6[%parallel_loop3A_348, %parallel_loop3A_349] {strides = array<i32>} : memref<512x128xf32, #tpu.memory_space<vmem>>, vector<1x16xf32>,
      %parallel_loop3A_351 = vector.shape_cast %parallel_loop3A_350 : vector<1x16xf32> to vector<16xf32>
      %parallel_loop3A_352 = vector.shape_cast %parallel_loop3A_347 : vector<16xf32> to vector<1x16xf32>
      tpu.vector_store %arg6[%parallel_loop3A_348, %parallel_loop3A_349], %parallel_loop3A_352 {strides = array<i32>} : memref<512x128xf32, #tpu.memory_space<vmem>>, vector<1x16xf32>,
      %parallel_loop3A_353 = arith.index_cast %parallel_loop3A_292 : i32 to index
      %parallel_loop3A_354 = arith.constant 80 : index
      %parallel_loop3A_355 = tpu.vector_load %arg6[%parallel_loop3A_353, %parallel_loop3A_354] {strides = array<i32>} : memref<512x128xf32, #tpu.memory_space<vmem>>, vector<1x16xf32>,
      %parallel_loop3A_356 = vector.shape_cast %parallel_loop3A_355 : vector<1x16xf32> to vector<16xf32>
      %parallel_loop3A_357 = arith.constant 11.3137083 : f32
      %parallel_loop3A_358 = vector.broadcast %parallel_loop3A_357 : f32 to vector<16xf32>
      %parallel_loop3A_359 = arith.mulf %parallel_loop3A_356, %parallel_loop3A_358 : vector<16xf32>
      %parallel_loop3A_360 = arith.index_cast %parallel_loop3A_292 : i32 to index
      %parallel_loop3A_361 = arith.constant 80 : index
      %parallel_loop3A_362 = tpu.vector_load %arg6[%parallel_loop3A_360, %parallel_loop3A_361] {strides = array<i32>} : memref<512x128xf32, #tpu.memory_space<vmem>>, vector<1x16xf32>,
      %parallel_loop3A_363 = vector.shape_cast %parallel_loop3A_362 : vector<1x16xf32> to vector<16xf32>
      %parallel_loop3A_364 = vector.shape_cast %parallel_loop3A_359 : vector<16xf32> to vector<1x16xf32>
      tpu.vector_store %arg6[%parallel_loop3A_360, %parallel_loop3A_361], %parallel_loop3A_364 {strides = array<i32>} : memref<512x128xf32, #tpu.memory_space<vmem>>, vector<1x16xf32>,
      %parallel_loop3A_365 = arith.index_cast %parallel_loop3A_292 : i32 to index
      %parallel_loop3A_366 = arith.constant 96 : index
      %parallel_loop3A_367 = tpu.vector_load %arg6[%parallel_loop3A_365, %parallel_loop3A_366] {strides = array<i32>} : memref<512x128xf32, #tpu.memory_space<vmem>>, vector<1x16xf32>,
      %parallel_loop3A_368 = vector.shape_cast %parallel_loop3A_367 : vector<1x16xf32> to vector<16xf32>
      %parallel_loop3A_369 = arith.constant 11.3137083 : f32
      %parallel_loop3A_370 = vector.broadcast %parallel_loop3A_369 : f32 to vector<16xf32>
      %parallel_loop3A_371 = arith.mulf %parallel_loop3A_368, %parallel_loop3A_370 : vector<16xf32>
      %parallel_loop3A_372 = arith.index_cast %parallel_loop3A_292 : i32 to index
      %parallel_loop3A_373 = arith.constant 96 : index
      %parallel_loop3A_374 = tpu.vector_load %arg6[%parallel_loop3A_372, %parallel_loop3A_373] {strides = array<i32>} : memref<512x128xf32, #tpu.memory_space<vmem>>, vector<1x16xf32>,
      %parallel_loop3A_375 = vector.shape_cast %parallel_loop3A_374 : vector<1x16xf32> to vector<16xf32>
      %parallel_loop3A_376 = vector.shape_cast %parallel_loop3A_371 : vector<16xf32> to vector<1x16xf32>
      tpu.vector_store %arg6[%parallel_loop3A_372, %parallel_loop3A_373], %parallel_loop3A_376 {strides = array<i32>} : memref<512x128xf32, #tpu.memory_space<vmem>>, vector<1x16xf32>,
      %parallel_loop3A_377 = arith.index_cast %parallel_loop3A_292 : i32 to index
      %parallel_loop3A_378 = arith.constant 112 : index
      %parallel_loop3A_379 = tpu.vector_load %arg6[%parallel_loop3A_377, %parallel_loop3A_378] {strides = array<i32>} : memref<512x128xf32, #tpu.memory_space<vmem>>, vector<1x16xf32>,
      %parallel_loop3A_380 = vector.shape_cast %parallel_loop3A_379 : vector<1x16xf32> to vector<16xf32>
      %parallel_loop3A_381 = arith.constant 11.3137083 : f32
      %parallel_loop3A_382 = vector.broadcast %parallel_loop3A_381 : f32 to vector<16xf32>
      %parallel_loop3A_383 = arith.mulf %parallel_loop3A_380, %parallel_loop3A_382 : vector<16xf32>
      %parallel_loop3A_384 = arith.index_cast %parallel_loop3A_292 : i32 to index
      %parallel_loop3A_385 = arith.constant 112 : index
      %parallel_loop3A_386 = tpu.vector_load %arg6[%parallel_loop3A_384, %parallel_loop3A_385] {strides = array<i32>} : memref<512x128xf32, #tpu.memory_space<vmem>>, vector<1x16xf32>,
      %parallel_loop3A_387 = vector.shape_cast %parallel_loop3A_386 : vector<1x16xf32> to vector<16xf32>
      %parallel_loop3A_388 = vector.shape_cast %parallel_loop3A_383 : vector<16xf32> to vector<1x16xf32>
      tpu.vector_store %arg6[%parallel_loop3A_384, %parallel_loop3A_385], %parallel_loop3A_388 {strides = array<i32>} : memref<512x128xf32, #tpu.memory_space<vmem>>, vector<1x16xf32>,
    } {sc.loop_unroll_factor = 2 : i64, sc.parallel_access}
    %add3A_184 = arith.constant 192 : i32
    %add3A_185 = arith.addi %mul3A_2, %add3A_184 : i32
    %dma_start3A_186 = arith.constant 192 : i32
    %dma_start3A_187 = arith.constant 0 : i32
    %dma_start3A_188 = tpu.memref_slice %arg6[%dma_start3A_186, %dma_start3A_187] : memref<512x128xf32, #tpu.memory_space<vmem>> -> memref<64x128xf32, #tpu.memory_space<vmem>>
    %dma_start3A_189 = arith.constant 0 : i32
    %dma_start3A_190 = tpu.memref_slice %arg4[%add3A_185, %dma_start3A_189] : memref<16384x128xf32, #tpu.memory_space<hbm>> -> memref<64x128xf32, #tpu.memory_space<hbm>>
    %dma_start3A_191 = arith.constant 0 : i32
    %dma_start3A_192 = tpu.memref_slice %arg4[%add3A_185, %dma_start3A_191] : memref<16384x128xf32, #tpu.memory_space<hbm>> -> memref<64x128xf32, #tpu.memory_space<hbm>>
    %dma_start3A_193 = arith.constant 192 : i32
    %dma_start3A_194 = arith.constant 0 : i32
    %dma_start3A_195 = tpu.memref_slice %arg6[%dma_start3A_193, %dma_start3A_194] : memref<512x128xf32, #tpu.memory_space<vmem>> -> memref<64x128xf32, #tpu.memory_space<vmem>>
    tpu.enqueue_dma source(%dma_start3A_195 : memref<64x128xf32, #tpu.memory_space<vmem>>) target(%dma_start3A_192 : memref<64x128xf32, #tpu.memory_space<hbm>>) target_semaphore(%arg16 : memref<!tpu.dma_semaphore, #tpu.memory_space<semaphore_mem>>)
    %dma_wait3A_196 = arith.constant 256 : i32
    %dma_wait3A_197 = arith.constant 0 : i32
    %dma_wait3A_198 = tpu.memref_slice %arg6[%dma_wait3A_196, %dma_wait3A_197] : memref<512x128xf32, #tpu.memory_space<vmem>> -> memref<64x128xf32, #tpu.memory_space<vmem>>
    %dma_wait3A_199 = arith.constant 256 : i32
    %dma_wait3A_200 = tpu.memref_slice %arg5[%dma_wait3A_199] : memref<512xi32, #tpu.memory_space<vmem>> -> memref<64xi32, #tpu.memory_space<vmem>>
    %dma_wait3A_201 = arith.constant 0 : i32
    %dma_wait3A_202 = arith.constant 0 : i32
    %dma_wait3A_203 = tpu.memref_slice %arg3[%dma_wait3A_201, %dma_wait3A_202] : memref<1000000x128xf32, #tpu.memory_space<hbm>> -> memref<1000000x128xf32, #tpu.memory_space<hbm>>
    tpu.wait_indirect_dma semaphore(%arg12 : memref<!tpu.dma_semaphore, #tpu.memory_space<semaphore_mem>>) src(%dma_wait3A_203 : memref<1000000x128xf32, #tpu.memory_space<hbm>>) dst(%dma_wait3A_198 : memref<64x128xf32, #tpu.memory_space<vmem>>)
    %parallel_loop3A_204 = arith.constant 256 : i32
    %parallel_loop3A_205 = arith.constant 320 : i32
    %parallel_loop3A_206 = arith.constant 1 : i32
    scf.for %parallel_loop3A_292 = %parallel_loop3A_204 to %parallel_loop3A_205 step %parallel_loop3A_206  : i32 {
      %parallel_loop3A_293 = arith.index_cast %parallel_loop3A_292 : i32 to index
      %parallel_loop3A_294 = arith.constant 0 : index
      %parallel_loop3A_295 = tpu.vector_load %arg6[%parallel_loop3A_293, %parallel_loop3A_294] {strides = array<i32>} : memref<512x128xf32, #tpu.memory_space<vmem>>, vector<1x16xf32>,
      %parallel_loop3A_296 = vector.shape_cast %parallel_loop3A_295 : vector<1x16xf32> to vector<16xf32>
      %parallel_loop3A_297 = arith.constant 11.3137083 : f32
      %parallel_loop3A_298 = vector.broadcast %parallel_loop3A_297 : f32 to vector<16xf32>
      %parallel_loop3A_299 = arith.mulf %parallel_loop3A_296, %parallel_loop3A_298 : vector<16xf32>
      %parallel_loop3A_300 = arith.index_cast %parallel_loop3A_292 : i32 to index
      %parallel_loop3A_301 = arith.constant 0 : index
      %parallel_loop3A_302 = tpu.vector_load %arg6[%parallel_loop3A_300, %parallel_loop3A_301] {strides = array<i32>} : memref<512x128xf32, #tpu.memory_space<vmem>>, vector<1x16xf32>,
      %parallel_loop3A_303 = vector.shape_cast %parallel_loop3A_302 : vector<1x16xf32> to vector<16xf32>
      %parallel_loop3A_304 = vector.shape_cast %parallel_loop3A_299 : vector<16xf32> to vector<1x16xf32>
      tpu.vector_store %arg6[%parallel_loop3A_300, %parallel_loop3A_301], %parallel_loop3A_304 {strides = array<i32>} : memref<512x128xf32, #tpu.memory_space<vmem>>, vector<1x16xf32>,
      %parallel_loop3A_305 = arith.index_cast %parallel_loop3A_292 : i32 to index
      %parallel_loop3A_306 = arith.constant 16 : index
      %parallel_loop3A_307 = tpu.vector_load %arg6[%parallel_loop3A_305, %parallel_loop3A_306] {strides = array<i32>} : memref<512x128xf32, #tpu.memory_space<vmem>>, vector<1x16xf32>,
      %parallel_loop3A_308 = vector.shape_cast %parallel_loop3A_307 : vector<1x16xf32> to vector<16xf32>
      %parallel_loop3A_309 = arith.constant 11.3137083 : f32
      %parallel_loop3A_310 = vector.broadcast %parallel_loop3A_309 : f32 to vector<16xf32>
      %parallel_loop3A_311 = arith.mulf %parallel_loop3A_308, %parallel_loop3A_310 : vector<16xf32>
      %parallel_loop3A_312 = arith.index_cast %parallel_loop3A_292 : i32 to index
      %parallel_loop3A_313 = arith.constant 16 : index
      %parallel_loop3A_314 = tpu.vector_load %arg6[%parallel_loop3A_312, %parallel_loop3A_313] {strides = array<i32>} : memref<512x128xf32, #tpu.memory_space<vmem>>, vector<1x16xf32>,
      %parallel_loop3A_315 = vector.shape_cast %parallel_loop3A_314 : vector<1x16xf32> to vector<16xf32>
      %parallel_loop3A_316 = vector.shape_cast %parallel_loop3A_311 : vector<16xf32> to vector<1x16xf32>
      tpu.vector_store %arg6[%parallel_loop3A_312, %parallel_loop3A_313], %parallel_loop3A_316 {strides = array<i32>} : memref<512x128xf32, #tpu.memory_space<vmem>>, vector<1x16xf32>,
      %parallel_loop3A_317 = arith.index_cast %parallel_loop3A_292 : i32 to index
      %parallel_loop3A_318 = arith.constant 32 : index
      %parallel_loop3A_319 = tpu.vector_load %arg6[%parallel_loop3A_317, %parallel_loop3A_318] {strides = array<i32>} : memref<512x128xf32, #tpu.memory_space<vmem>>, vector<1x16xf32>,
      %parallel_loop3A_320 = vector.shape_cast %parallel_loop3A_319 : vector<1x16xf32> to vector<16xf32>
      %parallel_loop3A_321 = arith.constant 11.3137083 : f32
      %parallel_loop3A_322 = vector.broadcast %parallel_loop3A_321 : f32 to vector<16xf32>
      %parallel_loop3A_323 = arith.mulf %parallel_loop3A_320, %parallel_loop3A_322 : vector<16xf32>
      %parallel_loop3A_324 = arith.index_cast %parallel_loop3A_292 : i32 to index
      %parallel_loop3A_325 = arith.constant 32 : index
      %parallel_loop3A_326 = tpu.vector_load %arg6[%parallel_loop3A_324, %parallel_loop3A_325] {strides = array<i32>} : memref<512x128xf32, #tpu.memory_space<vmem>>, vector<1x16xf32>,
      %parallel_loop3A_327 = vector.shape_cast %parallel_loop3A_326 : vector<1x16xf32> to vector<16xf32>
      %parallel_loop3A_328 = vector.shape_cast %parallel_loop3A_323 : vector<16xf32> to vector<1x16xf32>
      tpu.vector_store %arg6[%parallel_loop3A_324, %parallel_loop3A_325], %parallel_loop3A_328 {strides = array<i32>} : memref<512x128xf32, #tpu.memory_space<vmem>>, vector<1x16xf32>,
      %parallel_loop3A_329 = arith.index_cast %parallel_loop3A_292 : i32 to index
      %parallel_loop3A_330 = arith.constant 48 : index
      %parallel_loop3A_331 = tpu.vector_load %arg6[%parallel_loop3A_329, %parallel_loop3A_330] {strides = array<i32>} : memref<512x128xf32, #tpu.memory_space<vmem>>, vector<1x16xf32>,
      %parallel_loop3A_332 = vector.shape_cast %parallel_loop3A_331 : vector<1x16xf32> to vector<16xf32>
      %parallel_loop3A_333 = arith.constant 11.3137083 : f32
      %parallel_loop3A_334 = vector.broadcast %parallel_loop3A_333 : f32 to vector<16xf32>
      %parallel_loop3A_335 = arith.mulf %parallel_loop3A_332, %parallel_loop3A_334 : vector<16xf32>
      %parallel_loop3A_336 = arith.index_cast %parallel_loop3A_292 : i32 to index
      %parallel_loop3A_337 = arith.constant 48 : index
      %parallel_loop3A_338 = tpu.vector_load %arg6[%parallel_loop3A_336, %parallel_loop3A_337] {strides = array<i32>} : memref<512x128xf32, #tpu.memory_space<vmem>>, vector<1x16xf32>,
      %parallel_loop3A_339 = vector.shape_cast %parallel_loop3A_338 : vector<1x16xf32> to vector<16xf32>
      %parallel_loop3A_340 = vector.shape_cast %parallel_loop3A_335 : vector<16xf32> to vector<1x16xf32>
      tpu.vector_store %arg6[%parallel_loop3A_336, %parallel_loop3A_337], %parallel_loop3A_340 {strides = array<i32>} : memref<512x128xf32, #tpu.memory_space<vmem>>, vector<1x16xf32>,
      %parallel_loop3A_341 = arith.index_cast %parallel_loop3A_292 : i32 to index
      %parallel_loop3A_342 = arith.constant 64 : index
      %parallel_loop3A_343 = tpu.vector_load %arg6[%parallel_loop3A_341, %parallel_loop3A_342] {strides = array<i32>} : memref<512x128xf32, #tpu.memory_space<vmem>>, vector<1x16xf32>,
      %parallel_loop3A_344 = vector.shape_cast %parallel_loop3A_343 : vector<1x16xf32> to vector<16xf32>
      %parallel_loop3A_345 = arith.constant 11.3137083 : f32
      %parallel_loop3A_346 = vector.broadcast %parallel_loop3A_345 : f32 to vector<16xf32>
      %parallel_loop3A_347 = arith.mulf %parallel_loop3A_344, %parallel_loop3A_346 : vector<16xf32>
      %parallel_loop3A_348 = arith.index_cast %parallel_loop3A_292 : i32 to index
      %parallel_loop3A_349 = arith.constant 64 : index
      %parallel_loop3A_350 = tpu.vector_load %arg6[%parallel_loop3A_348, %parallel_loop3A_349] {strides = array<i32>} : memref<512x128xf32, #tpu.memory_space<vmem>>, vector<1x16xf32>,
      %parallel_loop3A_351 = vector.shape_cast %parallel_loop3A_350 : vector<1x16xf32> to vector<16xf32>
      %parallel_loop3A_352 = vector.shape_cast %parallel_loop3A_347 : vector<16xf32> to vector<1x16xf32>
      tpu.vector_store %arg6[%parallel_loop3A_348, %parallel_loop3A_349], %parallel_loop3A_352 {strides = array<i32>} : memref<512x128xf32, #tpu.memory_space<vmem>>, vector<1x16xf32>,
      %parallel_loop3A_353 = arith.index_cast %parallel_loop3A_292 : i32 to index
      %parallel_loop3A_354 = arith.constant 80 : index
      %parallel_loop3A_355 = tpu.vector_load %arg6[%parallel_loop3A_353, %parallel_loop3A_354] {strides = array<i32>} : memref<512x128xf32, #tpu.memory_space<vmem>>, vector<1x16xf32>,
      %parallel_loop3A_356 = vector.shape_cast %parallel_loop3A_355 : vector<1x16xf32> to vector<16xf32>
      %parallel_loop3A_357 = arith.constant 11.3137083 : f32
      %parallel_loop3A_358 = vector.broadcast %parallel_loop3A_357 : f32 to vector<16xf32>
      %parallel_loop3A_359 = arith.mulf %parallel_loop3A_356, %parallel_loop3A_358 : vector<16xf32>
      %parallel_loop3A_360 = arith.index_cast %parallel_loop3A_292 : i32 to index
      %parallel_loop3A_361 = arith.constant 80 : index
      %parallel_loop3A_362 = tpu.vector_load %arg6[%parallel_loop3A_360, %parallel_loop3A_361] {strides = array<i32>} : memref<512x128xf32, #tpu.memory_space<vmem>>, vector<1x16xf32>,
      %parallel_loop3A_363 = vector.shape_cast %parallel_loop3A_362 : vector<1x16xf32> to vector<16xf32>
      %parallel_loop3A_364 = vector.shape_cast %parallel_loop3A_359 : vector<16xf32> to vector<1x16xf32>
      tpu.vector_store %arg6[%parallel_loop3A_360, %parallel_loop3A_361], %parallel_loop3A_364 {strides = array<i32>} : memref<512x128xf32, #tpu.memory_space<vmem>>, vector<1x16xf32>,
      %parallel_loop3A_365 = arith.index_cast %parallel_loop3A_292 : i32 to index
      %parallel_loop3A_366 = arith.constant 96 : index
      %parallel_loop3A_367 = tpu.vector_load %arg6[%parallel_loop3A_365, %parallel_loop3A_366] {strides = array<i32>} : memref<512x128xf32, #tpu.memory_space<vmem>>, vector<1x16xf32>,
      %parallel_loop3A_368 = vector.shape_cast %parallel_loop3A_367 : vector<1x16xf32> to vector<16xf32>
      %parallel_loop3A_369 = arith.constant 11.3137083 : f32
      %parallel_loop3A_370 = vector.broadcast %parallel_loop3A_369 : f32 to vector<16xf32>
      %parallel_loop3A_371 = arith.mulf %parallel_loop3A_368, %parallel_loop3A_370 : vector<16xf32>
      %parallel_loop3A_372 = arith.index_cast %parallel_loop3A_292 : i32 to index
      %parallel_loop3A_373 = arith.constant 96 : index
      %parallel_loop3A_374 = tpu.vector_load %arg6[%parallel_loop3A_372, %parallel_loop3A_373] {strides = array<i32>} : memref<512x128xf32, #tpu.memory_space<vmem>>, vector<1x16xf32>,
      %parallel_loop3A_375 = vector.shape_cast %parallel_loop3A_374 : vector<1x16xf32> to vector<16xf32>
      %parallel_loop3A_376 = vector.shape_cast %parallel_loop3A_371 : vector<16xf32> to vector<1x16xf32>
      tpu.vector_store %arg6[%parallel_loop3A_372, %parallel_loop3A_373], %parallel_loop3A_376 {strides = array<i32>} : memref<512x128xf32, #tpu.memory_space<vmem>>, vector<1x16xf32>,
      %parallel_loop3A_377 = arith.index_cast %parallel_loop3A_292 : i32 to index
      %parallel_loop3A_378 = arith.constant 112 : index
      %parallel_loop3A_379 = tpu.vector_load %arg6[%parallel_loop3A_377, %parallel_loop3A_378] {strides = array<i32>} : memref<512x128xf32, #tpu.memory_space<vmem>>, vector<1x16xf32>,
      %parallel_loop3A_380 = vector.shape_cast %parallel_loop3A_379 : vector<1x16xf32> to vector<16xf32>
      %parallel_loop3A_381 = arith.constant 11.3137083 : f32
      %parallel_loop3A_382 = vector.broadcast %parallel_loop3A_381 : f32 to vector<16xf32>
      %parallel_loop3A_383 = arith.mulf %parallel_loop3A_380, %parallel_loop3A_382 : vector<16xf32>
      %parallel_loop3A_384 = arith.index_cast %parallel_loop3A_292 : i32 to index
      %parallel_loop3A_385 = arith.constant 112 : index
      %parallel_loop3A_386 = tpu.vector_load %arg6[%parallel_loop3A_384, %parallel_loop3A_385] {strides = array<i32>} : memref<512x128xf32, #tpu.memory_space<vmem>>, vector<1x16xf32>,
      %parallel_loop3A_387 = vector.shape_cast %parallel_loop3A_386 : vector<1x16xf32> to vector<16xf32>
      %parallel_loop3A_388 = vector.shape_cast %parallel_loop3A_383 : vector<16xf32> to vector<1x16xf32>
      tpu.vector_store %arg6[%parallel_loop3A_384, %parallel_loop3A_385], %parallel_loop3A_388 {strides = array<i32>} : memref<512x128xf32, #tpu.memory_space<vmem>>, vector<1x16xf32>,
    } {sc.loop_unroll_factor = 2 : i64, sc.parallel_access}
    %add3A_207 = arith.constant 256 : i32
    %add3A_208 = arith.addi %mul3A_2, %add3A_207 : i32
    %dma_start3A_209 = arith.constant 256 : i32
    %dma_start3A_210 = arith.constant 0 : i32
    %dma_start3A_211 = tpu.memref_slice %arg6[%dma_start3A_209, %dma_start3A_210] : memref<512x128xf32, #tpu.memory_space<vmem>> -> memref<64x128xf32, #tpu.memory_space<vmem>>
    %dma_start3A_212 = arith.constant 0 : i32
    %dma_start3A_213 = tpu.memref_slice %arg4[%add3A_208, %dma_start3A_212] : memref<16384x128xf32, #tpu.memory_space<hbm>> -> memref<64x128xf32, #tpu.memory_space<hbm>>
    %dma_start3A_214 = arith.constant 0 : i32
    %dma_start3A_215 = tpu.memref_slice %arg4[%add3A_208, %dma_start3A_214] : memref<16384x128xf32, #tpu.memory_space<hbm>> -> memref<64x128xf32, #tpu.memory_space<hbm>>
    %dma_start3A_216 = arith.constant 256 : i32
    %dma_start3A_217 = arith.constant 0 : i32
    %dma_start3A_218 = tpu.memref_slice %arg6[%dma_start3A_216, %dma_start3A_217] : memref<512x128xf32, #tpu.memory_space<vmem>> -> memref<64x128xf32, #tpu.memory_space<vmem>>
    tpu.enqueue_dma source(%dma_start3A_218 : memref<64x128xf32, #tpu.memory_space<vmem>>) target(%dma_start3A_215 : memref<64x128xf32, #tpu.memory_space<hbm>>) target_semaphore(%arg16 : memref<!tpu.dma_semaphore, #tpu.memory_space<semaphore_mem>>)
    %dma_wait3A_219 = arith.constant 320 : i32
    %dma_wait3A_220 = arith.constant 0 : i32
    %dma_wait3A_221 = tpu.memref_slice %arg6[%dma_wait3A_219, %dma_wait3A_220] : memref<512x128xf32, #tpu.memory_space<vmem>> -> memref<64x128xf32, #tpu.memory_space<vmem>>
    %dma_wait3A_222 = arith.constant 320 : i32
    %dma_wait3A_223 = tpu.memref_slice %arg5[%dma_wait3A_222] : memref<512xi32, #tpu.memory_space<vmem>> -> memref<64xi32, #tpu.memory_space<vmem>>
    %dma_wait3A_224 = arith.constant 0 : i32
    %dma_wait3A_225 = arith.constant 0 : i32
    %dma_wait3A_226 = tpu.memref_slice %arg3[%dma_wait3A_224, %dma_wait3A_225] : memref<1000000x128xf32, #tpu.memory_space<hbm>> -> memref<1000000x128xf32, #tpu.memory_space<hbm>>
    tpu.wait_indirect_dma semaphore(%arg13 : memref<!tpu.dma_semaphore, #tpu.memory_space<semaphore_mem>>) src(%dma_wait3A_226 : memref<1000000x128xf32, #tpu.memory_space<hbm>>) dst(%dma_wait3A_221 : memref<64x128xf32, #tpu.memory_space<vmem>>)
    %parallel_loop3A_227 = arith.constant 320 : i32
    %parallel_loop3A_228 = arith.constant 384 : i32
    %parallel_loop3A_229 = arith.constant 1 : i32
    scf.for %parallel_loop3A_292 = %parallel_loop3A_227 to %parallel_loop3A_228 step %parallel_loop3A_229  : i32 {
      %parallel_loop3A_293 = arith.index_cast %parallel_loop3A_292 : i32 to index
      %parallel_loop3A_294 = arith.constant 0 : index
      %parallel_loop3A_295 = tpu.vector_load %arg6[%parallel_loop3A_293, %parallel_loop3A_294] {strides = array<i32>} : memref<512x128xf32, #tpu.memory_space<vmem>>, vector<1x16xf32>,
      %parallel_loop3A_296 = vector.shape_cast %parallel_loop3A_295 : vector<1x16xf32> to vector<16xf32>
      %parallel_loop3A_297 = arith.constant 11.3137083 : f32
      %parallel_loop3A_298 = vector.broadcast %parallel_loop3A_297 : f32 to vector<16xf32>
      %parallel_loop3A_299 = arith.mulf %parallel_loop3A_296, %parallel_loop3A_298 : vector<16xf32>
      %parallel_loop3A_300 = arith.index_cast %parallel_loop3A_292 : i32 to index
      %parallel_loop3A_301 = arith.constant 0 : index
      %parallel_loop3A_302 = tpu.vector_load %arg6[%parallel_loop3A_300, %parallel_loop3A_301] {strides = array<i32>} : memref<512x128xf32, #tpu.memory_space<vmem>>, vector<1x16xf32>,
      %parallel_loop3A_303 = vector.shape_cast %parallel_loop3A_302 : vector<1x16xf32> to vector<16xf32>
      %parallel_loop3A_304 = vector.shape_cast %parallel_loop3A_299 : vector<16xf32> to vector<1x16xf32>
      tpu.vector_store %arg6[%parallel_loop3A_300, %parallel_loop3A_301], %parallel_loop3A_304 {strides = array<i32>} : memref<512x128xf32, #tpu.memory_space<vmem>>, vector<1x16xf32>,
      %parallel_loop3A_305 = arith.index_cast %parallel_loop3A_292 : i32 to index
      %parallel_loop3A_306 = arith.constant 16 : index
      %parallel_loop3A_307 = tpu.vector_load %arg6[%parallel_loop3A_305, %parallel_loop3A_306] {strides = array<i32>} : memref<512x128xf32, #tpu.memory_space<vmem>>, vector<1x16xf32>,
      %parallel_loop3A_308 = vector.shape_cast %parallel_loop3A_307 : vector<1x16xf32> to vector<16xf32>
      %parallel_loop3A_309 = arith.constant 11.3137083 : f32
      %parallel_loop3A_310 = vector.broadcast %parallel_loop3A_309 : f32 to vector<16xf32>
      %parallel_loop3A_311 = arith.mulf %parallel_loop3A_308, %parallel_loop3A_310 : vector<16xf32>
      %parallel_loop3A_312 = arith.index_cast %parallel_loop3A_292 : i32 to index
      %parallel_loop3A_313 = arith.constant 16 : index
      %parallel_loop3A_314 = tpu.vector_load %arg6[%parallel_loop3A_312, %parallel_loop3A_313] {strides = array<i32>} : memref<512x128xf32, #tpu.memory_space<vmem>>, vector<1x16xf32>,
      %parallel_loop3A_315 = vector.shape_cast %parallel_loop3A_314 : vector<1x16xf32> to vector<16xf32>
      %parallel_loop3A_316 = vector.shape_cast %parallel_loop3A_311 : vector<16xf32> to vector<1x16xf32>
      tpu.vector_store %arg6[%parallel_loop3A_312, %parallel_loop3A_313], %parallel_loop3A_316 {strides = array<i32>} : memref<512x128xf32, #tpu.memory_space<vmem>>, vector<1x16xf32>,
      %parallel_loop3A_317 = arith.index_cast %parallel_loop3A_292 : i32 to index
      %parallel_loop3A_318 = arith.constant 32 : index
      %parallel_loop3A_319 = tpu.vector_load %arg6[%parallel_loop3A_317, %parallel_loop3A_318] {strides = array<i32>} : memref<512x128xf32, #tpu.memory_space<vmem>>, vector<1x16xf32>,
      %parallel_loop3A_320 = vector.shape_cast %parallel_loop3A_319 : vector<1x16xf32> to vector<16xf32>
      %parallel_loop3A_321 = arith.constant 11.3137083 : f32
      %parallel_loop3A_322 = vector.broadcast %parallel_loop3A_321 : f32 to vector<16xf32>
      %parallel_loop3A_323 = arith.mulf %parallel_loop3A_320, %parallel_loop3A_322 : vector<16xf32>
      %parallel_loop3A_324 = arith.index_cast %parallel_loop3A_292 : i32 to index
      %parallel_loop3A_325 = arith.constant 32 : index
      %parallel_loop3A_326 = tpu.vector_load %arg6[%parallel_loop3A_324, %parallel_loop3A_325] {strides = array<i32>} : memref<512x128xf32, #tpu.memory_space<vmem>>, vector<1x16xf32>,
      %parallel_loop3A_327 = vector.shape_cast %parallel_loop3A_326 : vector<1x16xf32> to vector<16xf32>
      %parallel_loop3A_328 = vector.shape_cast %parallel_loop3A_323 : vector<16xf32> to vector<1x16xf32>
      tpu.vector_store %arg6[%parallel_loop3A_324, %parallel_loop3A_325], %parallel_loop3A_328 {strides = array<i32>} : memref<512x128xf32, #tpu.memory_space<vmem>>, vector<1x16xf32>,
      %parallel_loop3A_329 = arith.index_cast %parallel_loop3A_292 : i32 to index
      %parallel_loop3A_330 = arith.constant 48 : index
      %parallel_loop3A_331 = tpu.vector_load %arg6[%parallel_loop3A_329, %parallel_loop3A_330] {strides = array<i32>} : memref<512x128xf32, #tpu.memory_space<vmem>>, vector<1x16xf32>,
      %parallel_loop3A_332 = vector.shape_cast %parallel_loop3A_331 : vector<1x16xf32> to vector<16xf32>
      %parallel_loop3A_333 = arith.constant 11.3137083 : f32
      %parallel_loop3A_334 = vector.broadcast %parallel_loop3A_333 : f32 to vector<16xf32>
      %parallel_loop3A_335 = arith.mulf %parallel_loop3A_332, %parallel_loop3A_334 : vector<16xf32>
      %parallel_loop3A_336 = arith.index_cast %parallel_loop3A_292 : i32 to index
      %parallel_loop3A_337 = arith.constant 48 : index
      %parallel_loop3A_338 = tpu.vector_load %arg6[%parallel_loop3A_336, %parallel_loop3A_337] {strides = array<i32>} : memref<512x128xf32, #tpu.memory_space<vmem>>, vector<1x16xf32>,
      %parallel_loop3A_339 = vector.shape_cast %parallel_loop3A_338 : vector<1x16xf32> to vector<16xf32>
      %parallel_loop3A_340 = vector.shape_cast %parallel_loop3A_335 : vector<16xf32> to vector<1x16xf32>
      tpu.vector_store %arg6[%parallel_loop3A_336, %parallel_loop3A_337], %parallel_loop3A_340 {strides = array<i32>} : memref<512x128xf32, #tpu.memory_space<vmem>>, vector<1x16xf32>,
      %parallel_loop3A_341 = arith.index_cast %parallel_loop3A_292 : i32 to index
      %parallel_loop3A_342 = arith.constant 64 : index
      %parallel_loop3A_343 = tpu.vector_load %arg6[%parallel_loop3A_341, %parallel_loop3A_342] {strides = array<i32>} : memref<512x128xf32, #tpu.memory_space<vmem>>, vector<1x16xf32>,
      %parallel_loop3A_344 = vector.shape_cast %parallel_loop3A_343 : vector<1x16xf32> to vector<16xf32>
      %parallel_loop3A_345 = arith.constant 11.3137083 : f32
      %parallel_loop3A_346 = vector.broadcast %parallel_loop3A_345 : f32 to vector<16xf32>
      %parallel_loop3A_347 = arith.mulf %parallel_loop3A_344, %parallel_loop3A_346 : vector<16xf32>
      %parallel_loop3A_348 = arith.index_cast %parallel_loop3A_292 : i32 to index
      %parallel_loop3A_349 = arith.constant 64 : index
      %parallel_loop3A_350 = tpu.vector_load %arg6[%parallel_loop3A_348, %parallel_loop3A_349] {strides = array<i32>} : memref<512x128xf32, #tpu.memory_space<vmem>>, vector<1x16xf32>,
      %parallel_loop3A_351 = vector.shape_cast %parallel_loop3A_350 : vector<1x16xf32> to vector<16xf32>
      %parallel_loop3A_352 = vector.shape_cast %parallel_loop3A_347 : vector<16xf32> to vector<1x16xf32>
      tpu.vector_store %arg6[%parallel_loop3A_348, %parallel_loop3A_349], %parallel_loop3A_352 {strides = array<i32>} : memref<512x128xf32, #tpu.memory_space<vmem>>, vector<1x16xf32>,
      %parallel_loop3A_353 = arith.index_cast %parallel_loop3A_292 : i32 to index
      %parallel_loop3A_354 = arith.constant 80 : index
      %parallel_loop3A_355 = tpu.vector_load %arg6[%parallel_loop3A_353, %parallel_loop3A_354] {strides = array<i32>} : memref<512x128xf32, #tpu.memory_space<vmem>>, vector<1x16xf32>,
      %parallel_loop3A_356 = vector.shape_cast %parallel_loop3A_355 : vector<1x16xf32> to vector<16xf32>
      %parallel_loop3A_357 = arith.constant 11.3137083 : f32
      %parallel_loop3A_358 = vector.broadcast %parallel_loop3A_357 : f32 to vector<16xf32>
      %parallel_loop3A_359 = arith.mulf %parallel_loop3A_356, %parallel_loop3A_358 : vector<16xf32>
      %parallel_loop3A_360 = arith.index_cast %parallel_loop3A_292 : i32 to index
      %parallel_loop3A_361 = arith.constant 80 : index
      %parallel_loop3A_362 = tpu.vector_load %arg6[%parallel_loop3A_360, %parallel_loop3A_361] {strides = array<i32>} : memref<512x128xf32, #tpu.memory_space<vmem>>, vector<1x16xf32>,
      %parallel_loop3A_363 = vector.shape_cast %parallel_loop3A_362 : vector<1x16xf32> to vector<16xf32>
      %parallel_loop3A_364 = vector.shape_cast %parallel_loop3A_359 : vector<16xf32> to vector<1x16xf32>
      tpu.vector_store %arg6[%parallel_loop3A_360, %parallel_loop3A_361], %parallel_loop3A_364 {strides = array<i32>} : memref<512x128xf32, #tpu.memory_space<vmem>>, vector<1x16xf32>,
      %parallel_loop3A_365 = arith.index_cast %parallel_loop3A_292 : i32 to index
      %parallel_loop3A_366 = arith.constant 96 : index
      %parallel_loop3A_367 = tpu.vector_load %arg6[%parallel_loop3A_365, %parallel_loop3A_366] {strides = array<i32>} : memref<512x128xf32, #tpu.memory_space<vmem>>, vector<1x16xf32>,
      %parallel_loop3A_368 = vector.shape_cast %parallel_loop3A_367 : vector<1x16xf32> to vector<16xf32>
      %parallel_loop3A_369 = arith.constant 11.3137083 : f32
      %parallel_loop3A_370 = vector.broadcast %parallel_loop3A_369 : f32 to vector<16xf32>
      %parallel_loop3A_371 = arith.mulf %parallel_loop3A_368, %parallel_loop3A_370 : vector<16xf32>
      %parallel_loop3A_372 = arith.index_cast %parallel_loop3A_292 : i32 to index
      %parallel_loop3A_373 = arith.constant 96 : index
      %parallel_loop3A_374 = tpu.vector_load %arg6[%parallel_loop3A_372, %parallel_loop3A_373] {strides = array<i32>} : memref<512x128xf32, #tpu.memory_space<vmem>>, vector<1x16xf32>,
      %parallel_loop3A_375 = vector.shape_cast %parallel_loop3A_374 : vector<1x16xf32> to vector<16xf32>
      %parallel_loop3A_376 = vector.shape_cast %parallel_loop3A_371 : vector<16xf32> to vector<1x16xf32>
      tpu.vector_store %arg6[%parallel_loop3A_372, %parallel_loop3A_373], %parallel_loop3A_376 {strides = array<i32>} : memref<512x128xf32, #tpu.memory_space<vmem>>, vector<1x16xf32>,
      %parallel_loop3A_377 = arith.index_cast %parallel_loop3A_292 : i32 to index
      %parallel_loop3A_378 = arith.constant 112 : index
      %parallel_loop3A_379 = tpu.vector_load %arg6[%parallel_loop3A_377, %parallel_loop3A_378] {strides = array<i32>} : memref<512x128xf32, #tpu.memory_space<vmem>>, vector<1x16xf32>,
      %parallel_loop3A_380 = vector.shape_cast %parallel_loop3A_379 : vector<1x16xf32> to vector<16xf32>
      %parallel_loop3A_381 = arith.constant 11.3137083 : f32
      %parallel_loop3A_382 = vector.broadcast %parallel_loop3A_381 : f32 to vector<16xf32>
      %parallel_loop3A_383 = arith.mulf %parallel_loop3A_380, %parallel_loop3A_382 : vector<16xf32>
      %parallel_loop3A_384 = arith.index_cast %parallel_loop3A_292 : i32 to index
      %parallel_loop3A_385 = arith.constant 112 : index
      %parallel_loop3A_386 = tpu.vector_load %arg6[%parallel_loop3A_384, %parallel_loop3A_385] {strides = array<i32>} : memref<512x128xf32, #tpu.memory_space<vmem>>, vector<1x16xf32>,
      %parallel_loop3A_387 = vector.shape_cast %parallel_loop3A_386 : vector<1x16xf32> to vector<16xf32>
      %parallel_loop3A_388 = vector.shape_cast %parallel_loop3A_383 : vector<16xf32> to vector<1x16xf32>
      tpu.vector_store %arg6[%parallel_loop3A_384, %parallel_loop3A_385], %parallel_loop3A_388 {strides = array<i32>} : memref<512x128xf32, #tpu.memory_space<vmem>>, vector<1x16xf32>,
    } {sc.loop_unroll_factor = 2 : i64, sc.parallel_access}
    %add3A_230 = arith.constant 320 : i32
    %add3A_231 = arith.addi %mul3A_2, %add3A_230 : i32
    %dma_start3A_232 = arith.constant 320 : i32
    %dma_start3A_233 = arith.constant 0 : i32
    %dma_start3A_234 = tpu.memref_slice %arg6[%dma_start3A_232, %dma_start3A_233] : memref<512x128xf32, #tpu.memory_space<vmem>> -> memref<64x128xf32, #tpu.memory_space<vmem>>
    %dma_start3A_235 = arith.constant 0 : i32
    %dma_start3A_236 = tpu.memref_slice %arg4[%add3A_231, %dma_start3A_235] : memref<16384x128xf32, #tpu.memory_space<hbm>> -> memref<64x128xf32, #tpu.memory_space<hbm>>
    %dma_start3A_237 = arith.constant 0 : i32
    %dma_start3A_238 = tpu.memref_slice %arg4[%add3A_231, %dma_start3A_237] : memref<16384x128xf32, #tpu.memory_space<hbm>> -> memref<64x128xf32, #tpu.memory_space<hbm>>
    %dma_start3A_239 = arith.constant 320 : i32
    %dma_start3A_240 = arith.constant 0 : i32
    %dma_start3A_241 = tpu.memref_slice %arg6[%dma_start3A_239, %dma_start3A_240] : memref<512x128xf32, #tpu.memory_space<vmem>> -> memref<64x128xf32, #tpu.memory_space<vmem>>
    tpu.enqueue_dma source(%dma_start3A_241 : memref<64x128xf32, #tpu.memory_space<vmem>>) target(%dma_start3A_238 : memref<64x128xf32, #tpu.memory_space<hbm>>) target_semaphore(%arg16 : memref<!tpu.dma_semaphore, #tpu.memory_space<semaphore_mem>>)
    %dma_wait3A_242 = arith.constant 384 : i32
    %dma_wait3A_243 = arith.constant 0 : i32
    %dma_wait3A_244 = tpu.memref_slice %arg6[%dma_wait3A_242, %dma_wait3A_243] : memref<512x128xf32, #tpu.memory_space<vmem>> -> memref<64x128xf32, #tpu.memory_space<vmem>>
    %dma_wait3A_245 = arith.constant 384 : i32
    %dma_wait3A_246 = tpu.memref_slice %arg5[%dma_wait3A_245] : memref<512xi32, #tpu.memory_space<vmem>> -> memref<64xi32, #tpu.memory_space<vmem>>
    %dma_wait3A_247 = arith.constant 0 : i32
    %dma_wait3A_248 = arith.constant 0 : i32
    %dma_wait3A_249 = tpu.memref_slice %arg3[%dma_wait3A_247, %dma_wait3A_248] : memref<1000000x128xf32, #tpu.memory_space<hbm>> -> memref<1000000x128xf32, #tpu.memory_space<hbm>>
    tpu.wait_indirect_dma semaphore(%arg14 : memref<!tpu.dma_semaphore, #tpu.memory_space<semaphore_mem>>) src(%dma_wait3A_249 : memref<1000000x128xf32, #tpu.memory_space<hbm>>) dst(%dma_wait3A_244 : memref<64x128xf32, #tpu.memory_space<vmem>>)
    %parallel_loop3A_250 = arith.constant 384 : i32
    %parallel_loop3A_251 = arith.constant 448 : i32
    %parallel_loop3A_252 = arith.constant 1 : i32
    scf.for %parallel_loop3A_292 = %parallel_loop3A_250 to %parallel_loop3A_251 step %parallel_loop3A_252  : i32 {
      %parallel_loop3A_293 = arith.index_cast %parallel_loop3A_292 : i32 to index
      %parallel_loop3A_294 = arith.constant 0 : index
      %parallel_loop3A_295 = tpu.vector_load %arg6[%parallel_loop3A_293, %parallel_loop3A_294] {strides = array<i32>} : memref<512x128xf32, #tpu.memory_space<vmem>>, vector<1x16xf32>,
      %parallel_loop3A_296 = vector.shape_cast %parallel_loop3A_295 : vector<1x16xf32> to vector<16xf32>
      %parallel_loop3A_297 = arith.constant 11.3137083 : f32
      %parallel_loop3A_298 = vector.broadcast %parallel_loop3A_297 : f32 to vector<16xf32>
      %parallel_loop3A_299 = arith.mulf %parallel_loop3A_296, %parallel_loop3A_298 : vector<16xf32>
      %parallel_loop3A_300 = arith.index_cast %parallel_loop3A_292 : i32 to index
      %parallel_loop3A_301 = arith.constant 0 : index
      %parallel_loop3A_302 = tpu.vector_load %arg6[%parallel_loop3A_300, %parallel_loop3A_301] {strides = array<i32>} : memref<512x128xf32, #tpu.memory_space<vmem>>, vector<1x16xf32>,
      %parallel_loop3A_303 = vector.shape_cast %parallel_loop3A_302 : vector<1x16xf32> to vector<16xf32>
      %parallel_loop3A_304 = vector.shape_cast %parallel_loop3A_299 : vector<16xf32> to vector<1x16xf32>
      tpu.vector_store %arg6[%parallel_loop3A_300, %parallel_loop3A_301], %parallel_loop3A_304 {strides = array<i32>} : memref<512x128xf32, #tpu.memory_space<vmem>>, vector<1x16xf32>,
      %parallel_loop3A_305 = arith.index_cast %parallel_loop3A_292 : i32 to index
      %parallel_loop3A_306 = arith.constant 16 : index
      %parallel_loop3A_307 = tpu.vector_load %arg6[%parallel_loop3A_305, %parallel_loop3A_306] {strides = array<i32>} : memref<512x128xf32, #tpu.memory_space<vmem>>, vector<1x16xf32>,
      %parallel_loop3A_308 = vector.shape_cast %parallel_loop3A_307 : vector<1x16xf32> to vector<16xf32>
      %parallel_loop3A_309 = arith.constant 11.3137083 : f32
      %parallel_loop3A_310 = vector.broadcast %parallel_loop3A_309 : f32 to vector<16xf32>
      %parallel_loop3A_311 = arith.mulf %parallel_loop3A_308, %parallel_loop3A_310 : vector<16xf32>
      %parallel_loop3A_312 = arith.index_cast %parallel_loop3A_292 : i32 to index
      %parallel_loop3A_313 = arith.constant 16 : index
      %parallel_loop3A_314 = tpu.vector_load %arg6[%parallel_loop3A_312, %parallel_loop3A_313] {strides = array<i32>} : memref<512x128xf32, #tpu.memory_space<vmem>>, vector<1x16xf32>,
      %parallel_loop3A_315 = vector.shape_cast %parallel_loop3A_314 : vector<1x16xf32> to vector<16xf32>
      %parallel_loop3A_316 = vector.shape_cast %parallel_loop3A_311 : vector<16xf32> to vector<1x16xf32>
      tpu.vector_store %arg6[%parallel_loop3A_312, %parallel_loop3A_313], %parallel_loop3A_316 {strides = array<i32>} : memref<512x128xf32, #tpu.memory_space<vmem>>, vector<1x16xf32>,
      %parallel_loop3A_317 = arith.index_cast %parallel_loop3A_292 : i32 to index
      %parallel_loop3A_318 = arith.constant 32 : index
      %parallel_loop3A_319 = tpu.vector_load %arg6[%parallel_loop3A_317, %parallel_loop3A_318] {strides = array<i32>} : memref<512x128xf32, #tpu.memory_space<vmem>>, vector<1x16xf32>,
      %parallel_loop3A_320 = vector.shape_cast %parallel_loop3A_319 : vector<1x16xf32> to vector<16xf32>
      %parallel_loop3A_321 = arith.constant 11.3137083 : f32
      %parallel_loop3A_322 = vector.broadcast %parallel_loop3A_321 : f32 to vector<16xf32>
      %parallel_loop3A_323 = arith.mulf %parallel_loop3A_320, %parallel_loop3A_322 : vector<16xf32>
      %parallel_loop3A_324 = arith.index_cast %parallel_loop3A_292 : i32 to index
      %parallel_loop3A_325 = arith.constant 32 : index
      %parallel_loop3A_326 = tpu.vector_load %arg6[%parallel_loop3A_324, %parallel_loop3A_325] {strides = array<i32>} : memref<512x128xf32, #tpu.memory_space<vmem>>, vector<1x16xf32>,
      %parallel_loop3A_327 = vector.shape_cast %parallel_loop3A_326 : vector<1x16xf32> to vector<16xf32>
      %parallel_loop3A_328 = vector.shape_cast %parallel_loop3A_323 : vector<16xf32> to vector<1x16xf32>
      tpu.vector_store %arg6[%parallel_loop3A_324, %parallel_loop3A_325], %parallel_loop3A_328 {strides = array<i32>} : memref<512x128xf32, #tpu.memory_space<vmem>>, vector<1x16xf32>,
      %parallel_loop3A_329 = arith.index_cast %parallel_loop3A_292 : i32 to index
      %parallel_loop3A_330 = arith.constant 48 : index
      %parallel_loop3A_331 = tpu.vector_load %arg6[%parallel_loop3A_329, %parallel_loop3A_330] {strides = array<i32>} : memref<512x128xf32, #tpu.memory_space<vmem>>, vector<1x16xf32>,
      %parallel_loop3A_332 = vector.shape_cast %parallel_loop3A_331 : vector<1x16xf32> to vector<16xf32>
      %parallel_loop3A_333 = arith.constant 11.3137083 : f32
      %parallel_loop3A_334 = vector.broadcast %parallel_loop3A_333 : f32 to vector<16xf32>
      %parallel_loop3A_335 = arith.mulf %parallel_loop3A_332, %parallel_loop3A_334 : vector<16xf32>
      %parallel_loop3A_336 = arith.index_cast %parallel_loop3A_292 : i32 to index
      %parallel_loop3A_337 = arith.constant 48 : index
      %parallel_loop3A_338 = tpu.vector_load %arg6[%parallel_loop3A_336, %parallel_loop3A_337] {strides = array<i32>} : memref<512x128xf32, #tpu.memory_space<vmem>>, vector<1x16xf32>,
      %parallel_loop3A_339 = vector.shape_cast %parallel_loop3A_338 : vector<1x16xf32> to vector<16xf32>
      %parallel_loop3A_340 = vector.shape_cast %parallel_loop3A_335 : vector<16xf32> to vector<1x16xf32>
      tpu.vector_store %arg6[%parallel_loop3A_336, %parallel_loop3A_337], %parallel_loop3A_340 {strides = array<i32>} : memref<512x128xf32, #tpu.memory_space<vmem>>, vector<1x16xf32>,
      %parallel_loop3A_341 = arith.index_cast %parallel_loop3A_292 : i32 to index
      %parallel_loop3A_342 = arith.constant 64 : index
      %parallel_loop3A_343 = tpu.vector_load %arg6[%parallel_loop3A_341, %parallel_loop3A_342] {strides = array<i32>} : memref<512x128xf32, #tpu.memory_space<vmem>>, vector<1x16xf32>,
      %parallel_loop3A_344 = vector.shape_cast %parallel_loop3A_343 : vector<1x16xf32> to vector<16xf32>
      %parallel_loop3A_345 = arith.constant 11.3137083 : f32
      %parallel_loop3A_346 = vector.broadcast %parallel_loop3A_345 : f32 to vector<16xf32>
      %parallel_loop3A_347 = arith.mulf %parallel_loop3A_344, %parallel_loop3A_346 : vector<16xf32>
      %parallel_loop3A_348 = arith.index_cast %parallel_loop3A_292 : i32 to index
      %parallel_loop3A_349 = arith.constant 64 : index
      %parallel_loop3A_350 = tpu.vector_load %arg6[%parallel_loop3A_348, %parallel_loop3A_349] {strides = array<i32>} : memref<512x128xf32, #tpu.memory_space<vmem>>, vector<1x16xf32>,
      %parallel_loop3A_351 = vector.shape_cast %parallel_loop3A_350 : vector<1x16xf32> to vector<16xf32>
      %parallel_loop3A_352 = vector.shape_cast %parallel_loop3A_347 : vector<16xf32> to vector<1x16xf32>
      tpu.vector_store %arg6[%parallel_loop3A_348, %parallel_loop3A_349], %parallel_loop3A_352 {strides = array<i32>} : memref<512x128xf32, #tpu.memory_space<vmem>>, vector<1x16xf32>,
      %parallel_loop3A_353 = arith.index_cast %parallel_loop3A_292 : i32 to index
      %parallel_loop3A_354 = arith.constant 80 : index
      %parallel_loop3A_355 = tpu.vector_load %arg6[%parallel_loop3A_353, %parallel_loop3A_354] {strides = array<i32>} : memref<512x128xf32, #tpu.memory_space<vmem>>, vector<1x16xf32>,
      %parallel_loop3A_356 = vector.shape_cast %parallel_loop3A_355 : vector<1x16xf32> to vector<16xf32>
      %parallel_loop3A_357 = arith.constant 11.3137083 : f32
      %parallel_loop3A_358 = vector.broadcast %parallel_loop3A_357 : f32 to vector<16xf32>
      %parallel_loop3A_359 = arith.mulf %parallel_loop3A_356, %parallel_loop3A_358 : vector<16xf32>
      %parallel_loop3A_360 = arith.index_cast %parallel_loop3A_292 : i32 to index
      %parallel_loop3A_361 = arith.constant 80 : index
      %parallel_loop3A_362 = tpu.vector_load %arg6[%parallel_loop3A_360, %parallel_loop3A_361] {strides = array<i32>} : memref<512x128xf32, #tpu.memory_space<vmem>>, vector<1x16xf32>,
      %parallel_loop3A_363 = vector.shape_cast %parallel_loop3A_362 : vector<1x16xf32> to vector<16xf32>
      %parallel_loop3A_364 = vector.shape_cast %parallel_loop3A_359 : vector<16xf32> to vector<1x16xf32>
      tpu.vector_store %arg6[%parallel_loop3A_360, %parallel_loop3A_361], %parallel_loop3A_364 {strides = array<i32>} : memref<512x128xf32, #tpu.memory_space<vmem>>, vector<1x16xf32>,
      %parallel_loop3A_365 = arith.index_cast %parallel_loop3A_292 : i32 to index
      %parallel_loop3A_366 = arith.constant 96 : index
      %parallel_loop3A_367 = tpu.vector_load %arg6[%parallel_loop3A_365, %parallel_loop3A_366] {strides = array<i32>} : memref<512x128xf32, #tpu.memory_space<vmem>>, vector<1x16xf32>,
      %parallel_loop3A_368 = vector.shape_cast %parallel_loop3A_367 : vector<1x16xf32> to vector<16xf32>
      %parallel_loop3A_369 = arith.constant 11.3137083 : f32
      %parallel_loop3A_370 = vector.broadcast %parallel_loop3A_369 : f32 to vector<16xf32>
      %parallel_loop3A_371 = arith.mulf %parallel_loop3A_368, %parallel_loop3A_370 : vector<16xf32>
      %parallel_loop3A_372 = arith.index_cast %parallel_loop3A_292 : i32 to index
      %parallel_loop3A_373 = arith.constant 96 : index
      %parallel_loop3A_374 = tpu.vector_load %arg6[%parallel_loop3A_372, %parallel_loop3A_373] {strides = array<i32>} : memref<512x128xf32, #tpu.memory_space<vmem>>, vector<1x16xf32>,
      %parallel_loop3A_375 = vector.shape_cast %parallel_loop3A_374 : vector<1x16xf32> to vector<16xf32>
      %parallel_loop3A_376 = vector.shape_cast %parallel_loop3A_371 : vector<16xf32> to vector<1x16xf32>
      tpu.vector_store %arg6[%parallel_loop3A_372, %parallel_loop3A_373], %parallel_loop3A_376 {strides = array<i32>} : memref<512x128xf32, #tpu.memory_space<vmem>>, vector<1x16xf32>,
      %parallel_loop3A_377 = arith.index_cast %parallel_loop3A_292 : i32 to index
      %parallel_loop3A_378 = arith.constant 112 : index
      %parallel_loop3A_379 = tpu.vector_load %arg6[%parallel_loop3A_377, %parallel_loop3A_378] {strides = array<i32>} : memref<512x128xf32, #tpu.memory_space<vmem>>, vector<1x16xf32>,
      %parallel_loop3A_380 = vector.shape_cast %parallel_loop3A_379 : vector<1x16xf32> to vector<16xf32>
      %parallel_loop3A_381 = arith.constant 11.3137083 : f32
      %parallel_loop3A_382 = vector.broadcast %parallel_loop3A_381 : f32 to vector<16xf32>
      %parallel_loop3A_383 = arith.mulf %parallel_loop3A_380, %parallel_loop3A_382 : vector<16xf32>
      %parallel_loop3A_384 = arith.index_cast %parallel_loop3A_292 : i32 to index
      %parallel_loop3A_385 = arith.constant 112 : index
      %parallel_loop3A_386 = tpu.vector_load %arg6[%parallel_loop3A_384, %parallel_loop3A_385] {strides = array<i32>} : memref<512x128xf32, #tpu.memory_space<vmem>>, vector<1x16xf32>,
      %parallel_loop3A_387 = vector.shape_cast %parallel_loop3A_386 : vector<1x16xf32> to vector<16xf32>
      %parallel_loop3A_388 = vector.shape_cast %parallel_loop3A_383 : vector<16xf32> to vector<1x16xf32>
      tpu.vector_store %arg6[%parallel_loop3A_384, %parallel_loop3A_385], %parallel_loop3A_388 {strides = array<i32>} : memref<512x128xf32, #tpu.memory_space<vmem>>, vector<1x16xf32>,
    } {sc.loop_unroll_factor = 2 : i64, sc.parallel_access}
    %add3A_253 = arith.constant 384 : i32
    %add3A_254 = arith.addi %mul3A_2, %add3A_253 : i32
    %dma_start3A_255 = arith.constant 384 : i32
    %dma_start3A_256 = arith.constant 0 : i32
    %dma_start3A_257 = tpu.memref_slice %arg6[%dma_start3A_255, %dma_start3A_256] : memref<512x128xf32, #tpu.memory_space<vmem>> -> memref<64x128xf32, #tpu.memory_space<vmem>>
    %dma_start3A_258 = arith.constant 0 : i32
    %dma_start3A_259 = tpu.memref_slice %arg4[%add3A_254, %dma_start3A_258] : memref<16384x128xf32, #tpu.memory_space<hbm>> -> memref<64x128xf32, #tpu.memory_space<hbm>>
    %dma_start3A_260 = arith.constant 0 : i32
    %dma_start3A_261 = tpu.memref_slice %arg4[%add3A_254, %dma_start3A_260] : memref<16384x128xf32, #tpu.memory_space<hbm>> -> memref<64x128xf32, #tpu.memory_space<hbm>>
    %dma_start3A_262 = arith.constant 384 : i32
    %dma_start3A_263 = arith.constant 0 : i32
    %dma_start3A_264 = tpu.memref_slice %arg6[%dma_start3A_262, %dma_start3A_263] : memref<512x128xf32, #tpu.memory_space<vmem>> -> memref<64x128xf32, #tpu.memory_space<vmem>>
    tpu.enqueue_dma source(%dma_start3A_264 : memref<64x128xf32, #tpu.memory_space<vmem>>) target(%dma_start3A_261 : memref<64x128xf32, #tpu.memory_space<hbm>>) target_semaphore(%arg16 : memref<!tpu.dma_semaphore, #tpu.memory_space<semaphore_mem>>)
    %dma_wait3A_265 = arith.constant 448 : i32
    %dma_wait3A_266 = arith.constant 0 : i32
    %dma_wait3A_267 = tpu.memref_slice %arg6[%dma_wait3A_265, %dma_wait3A_266] : memref<512x128xf32, #tpu.memory_space<vmem>> -> memref<64x128xf32, #tpu.memory_space<vmem>>
    %dma_wait3A_268 = arith.constant 448 : i32
    %dma_wait3A_269 = tpu.memref_slice %arg5[%dma_wait3A_268] : memref<512xi32, #tpu.memory_space<vmem>> -> memref<64xi32, #tpu.memory_space<vmem>>
    %dma_wait3A_270 = arith.constant 0 : i32
    %dma_wait3A_271 = arith.constant 0 : i32
    %dma_wait3A_272 = tpu.memref_slice %arg3[%dma_wait3A_270, %dma_wait3A_271] : memref<1000000x128xf32, #tpu.memory_space<hbm>> -> memref<1000000x128xf32, #tpu.memory_space<hbm>>
    tpu.wait_indirect_dma semaphore(%arg15 : memref<!tpu.dma_semaphore, #tpu.memory_space<semaphore_mem>>) src(%dma_wait3A_272 : memref<1000000x128xf32, #tpu.memory_space<hbm>>) dst(%dma_wait3A_267 : memref<64x128xf32, #tpu.memory_space<vmem>>)
    %parallel_loop3A_273 = arith.constant 448 : i32
    %parallel_loop3A_274 = arith.constant 512 : i32
    %parallel_loop3A_275 = arith.constant 1 : i32
    scf.for %parallel_loop3A_292 = %parallel_loop3A_273 to %parallel_loop3A_274 step %parallel_loop3A_275  : i32 {
      %parallel_loop3A_293 = arith.index_cast %parallel_loop3A_292 : i32 to index
      %parallel_loop3A_294 = arith.constant 0 : index
      %parallel_loop3A_295 = tpu.vector_load %arg6[%parallel_loop3A_293, %parallel_loop3A_294] {strides = array<i32>} : memref<512x128xf32, #tpu.memory_space<vmem>>, vector<1x16xf32>,
      %parallel_loop3A_296 = vector.shape_cast %parallel_loop3A_295 : vector<1x16xf32> to vector<16xf32>
      %parallel_loop3A_297 = arith.constant 11.3137083 : f32
      %parallel_loop3A_298 = vector.broadcast %parallel_loop3A_297 : f32 to vector<16xf32>
      %parallel_loop3A_299 = arith.mulf %parallel_loop3A_296, %parallel_loop3A_298 : vector<16xf32>
      %parallel_loop3A_300 = arith.index_cast %parallel_loop3A_292 : i32 to index
      %parallel_loop3A_301 = arith.constant 0 : index
      %parallel_loop3A_302 = tpu.vector_load %arg6[%parallel_loop3A_300, %parallel_loop3A_301] {strides = array<i32>} : memref<512x128xf32, #tpu.memory_space<vmem>>, vector<1x16xf32>,
      %parallel_loop3A_303 = vector.shape_cast %parallel_loop3A_302 : vector<1x16xf32> to vector<16xf32>
      %parallel_loop3A_304 = vector.shape_cast %parallel_loop3A_299 : vector<16xf32> to vector<1x16xf32>
      tpu.vector_store %arg6[%parallel_loop3A_300, %parallel_loop3A_301], %parallel_loop3A_304 {strides = array<i32>} : memref<512x128xf32, #tpu.memory_space<vmem>>, vector<1x16xf32>,
      %parallel_loop3A_305 = arith.index_cast %parallel_loop3A_292 : i32 to index
      %parallel_loop3A_306 = arith.constant 16 : index
      %parallel_loop3A_307 = tpu.vector_load %arg6[%parallel_loop3A_305, %parallel_loop3A_306] {strides = array<i32>} : memref<512x128xf32, #tpu.memory_space<vmem>>, vector<1x16xf32>,
      %parallel_loop3A_308 = vector.shape_cast %parallel_loop3A_307 : vector<1x16xf32> to vector<16xf32>
      %parallel_loop3A_309 = arith.constant 11.3137083 : f32
      %parallel_loop3A_310 = vector.broadcast %parallel_loop3A_309 : f32 to vector<16xf32>
      %parallel_loop3A_311 = arith.mulf %parallel_loop3A_308, %parallel_loop3A_310 : vector<16xf32>
      %parallel_loop3A_312 = arith.index_cast %parallel_loop3A_292 : i32 to index
      %parallel_loop3A_313 = arith.constant 16 : index
      %parallel_loop3A_314 = tpu.vector_load %arg6[%parallel_loop3A_312, %parallel_loop3A_313] {strides = array<i32>} : memref<512x128xf32, #tpu.memory_space<vmem>>, vector<1x16xf32>,
      %parallel_loop3A_315 = vector.shape_cast %parallel_loop3A_314 : vector<1x16xf32> to vector<16xf32>
      %parallel_loop3A_316 = vector.shape_cast %parallel_loop3A_311 : vector<16xf32> to vector<1x16xf32>
      tpu.vector_store %arg6[%parallel_loop3A_312, %parallel_loop3A_313], %parallel_loop3A_316 {strides = array<i32>} : memref<512x128xf32, #tpu.memory_space<vmem>>, vector<1x16xf32>,
      %parallel_loop3A_317 = arith.index_cast %parallel_loop3A_292 : i32 to index
      %parallel_loop3A_318 = arith.constant 32 : index
      %parallel_loop3A_319 = tpu.vector_load %arg6[%parallel_loop3A_317, %parallel_loop3A_318] {strides = array<i32>} : memref<512x128xf32, #tpu.memory_space<vmem>>, vector<1x16xf32>,
      %parallel_loop3A_320 = vector.shape_cast %parallel_loop3A_319 : vector<1x16xf32> to vector<16xf32>
      %parallel_loop3A_321 = arith.constant 11.3137083 : f32
      %parallel_loop3A_322 = vector.broadcast %parallel_loop3A_321 : f32 to vector<16xf32>
      %parallel_loop3A_323 = arith.mulf %parallel_loop3A_320, %parallel_loop3A_322 : vector<16xf32>
      %parallel_loop3A_324 = arith.index_cast %parallel_loop3A_292 : i32 to index
      %parallel_loop3A_325 = arith.constant 32 : index
      %parallel_loop3A_326 = tpu.vector_load %arg6[%parallel_loop3A_324, %parallel_loop3A_325] {strides = array<i32>} : memref<512x128xf32, #tpu.memory_space<vmem>>, vector<1x16xf32>,
      %parallel_loop3A_327 = vector.shape_cast %parallel_loop3A_326 : vector<1x16xf32> to vector<16xf32>
      %parallel_loop3A_328 = vector.shape_cast %parallel_loop3A_323 : vector<16xf32> to vector<1x16xf32>
      tpu.vector_store %arg6[%parallel_loop3A_324, %parallel_loop3A_325], %parallel_loop3A_328 {strides = array<i32>} : memref<512x128xf32, #tpu.memory_space<vmem>>, vector<1x16xf32>,
      %parallel_loop3A_329 = arith.index_cast %parallel_loop3A_292 : i32 to index
      %parallel_loop3A_330 = arith.constant 48 : index
      %parallel_loop3A_331 = tpu.vector_load %arg6[%parallel_loop3A_329, %parallel_loop3A_330] {strides = array<i32>} : memref<512x128xf32, #tpu.memory_space<vmem>>, vector<1x16xf32>,
      %parallel_loop3A_332 = vector.shape_cast %parallel_loop3A_331 : vector<1x16xf32> to vector<16xf32>
      %parallel_loop3A_333 = arith.constant 11.3137083 : f32
      %parallel_loop3A_334 = vector.broadcast %parallel_loop3A_333 : f32 to vector<16xf32>
      %parallel_loop3A_335 = arith.mulf %parallel_loop3A_332, %parallel_loop3A_334 : vector<16xf32>
      %parallel_loop3A_336 = arith.index_cast %parallel_loop3A_292 : i32 to index
      %parallel_loop3A_337 = arith.constant 48 : index
      %parallel_loop3A_338 = tpu.vector_load %arg6[%parallel_loop3A_336, %parallel_loop3A_337] {strides = array<i32>} : memref<512x128xf32, #tpu.memory_space<vmem>>, vector<1x16xf32>,
      %parallel_loop3A_339 = vector.shape_cast %parallel_loop3A_338 : vector<1x16xf32> to vector<16xf32>
      %parallel_loop3A_340 = vector.shape_cast %parallel_loop3A_335 : vector<16xf32> to vector<1x16xf32>
      tpu.vector_store %arg6[%parallel_loop3A_336, %parallel_loop3A_337], %parallel_loop3A_340 {strides = array<i32>} : memref<512x128xf32, #tpu.memory_space<vmem>>, vector<1x16xf32>,
      %parallel_loop3A_341 = arith.index_cast %parallel_loop3A_292 : i32 to index
      %parallel_loop3A_342 = arith.constant 64 : index
      %parallel_loop3A_343 = tpu.vector_load %arg6[%parallel_loop3A_341, %parallel_loop3A_342] {strides = array<i32>} : memref<512x128xf32, #tpu.memory_space<vmem>>, vector<1x16xf32>,
      %parallel_loop3A_344 = vector.shape_cast %parallel_loop3A_343 : vector<1x16xf32> to vector<16xf32>
      %parallel_loop3A_345 = arith.constant 11.3137083 : f32
      %parallel_loop3A_346 = vector.broadcast %parallel_loop3A_345 : f32 to vector<16xf32>
      %parallel_loop3A_347 = arith.mulf %parallel_loop3A_344, %parallel_loop3A_346 : vector<16xf32>
      %parallel_loop3A_348 = arith.index_cast %parallel_loop3A_292 : i32 to index
      %parallel_loop3A_349 = arith.constant 64 : index
      %parallel_loop3A_350 = tpu.vector_load %arg6[%parallel_loop3A_348, %parallel_loop3A_349] {strides = array<i32>} : memref<512x128xf32, #tpu.memory_space<vmem>>, vector<1x16xf32>,
      %parallel_loop3A_351 = vector.shape_cast %parallel_loop3A_350 : vector<1x16xf32> to vector<16xf32>
      %parallel_loop3A_352 = vector.shape_cast %parallel_loop3A_347 : vector<16xf32> to vector<1x16xf32>
      tpu.vector_store %arg6[%parallel_loop3A_348, %parallel_loop3A_349], %parallel_loop3A_352 {strides = array<i32>} : memref<512x128xf32, #tpu.memory_space<vmem>>, vector<1x16xf32>,
      %parallel_loop3A_353 = arith.index_cast %parallel_loop3A_292 : i32 to index
      %parallel_loop3A_354 = arith.constant 80 : index
      %parallel_loop3A_355 = tpu.vector_load %arg6[%parallel_loop3A_353, %parallel_loop3A_354] {strides = array<i32>} : memref<512x128xf32, #tpu.memory_space<vmem>>, vector<1x16xf32>,
      %parallel_loop3A_356 = vector.shape_cast %parallel_loop3A_355 : vector<1x16xf32> to vector<16xf32>
      %parallel_loop3A_357 = arith.constant 11.3137083 : f32
      %parallel_loop3A_358 = vector.broadcast %parallel_loop3A_357 : f32 to vector<16xf32>
      %parallel_loop3A_359 = arith.mulf %parallel_loop3A_356, %parallel_loop3A_358 : vector<16xf32>
      %parallel_loop3A_360 = arith.index_cast %parallel_loop3A_292 : i32 to index
      %parallel_loop3A_361 = arith.constant 80 : index
      %parallel_loop3A_362 = tpu.vector_load %arg6[%parallel_loop3A_360, %parallel_loop3A_361] {strides = array<i32>} : memref<512x128xf32, #tpu.memory_space<vmem>>, vector<1x16xf32>,
      %parallel_loop3A_363 = vector.shape_cast %parallel_loop3A_362 : vector<1x16xf32> to vector<16xf32>
      %parallel_loop3A_364 = vector.shape_cast %parallel_loop3A_359 : vector<16xf32> to vector<1x16xf32>
      tpu.vector_store %arg6[%parallel_loop3A_360, %parallel_loop3A_361], %parallel_loop3A_364 {strides = array<i32>} : memref<512x128xf32, #tpu.memory_space<vmem>>, vector<1x16xf32>,
      %parallel_loop3A_365 = arith.index_cast %parallel_loop3A_292 : i32 to index
      %parallel_loop3A_366 = arith.constant 96 : index
      %parallel_loop3A_367 = tpu.vector_load %arg6[%parallel_loop3A_365, %parallel_loop3A_366] {strides = array<i32>} : memref<512x128xf32, #tpu.memory_space<vmem>>, vector<1x16xf32>,
      %parallel_loop3A_368 = vector.shape_cast %parallel_loop3A_367 : vector<1x16xf32> to vector<16xf32>
      %parallel_loop3A_369 = arith.constant 11.3137083 : f32
      %parallel_loop3A_370 = vector.broadcast %parallel_loop3A_369 : f32 to vector<16xf32>
      %parallel_loop3A_371 = arith.mulf %parallel_loop3A_368, %parallel_loop3A_370 : vector<16xf32>
      %parallel_loop3A_372 = arith.index_cast %parallel_loop3A_292 : i32 to index
      %parallel_loop3A_373 = arith.constant 96 : index
      %parallel_loop3A_374 = tpu.vector_load %arg6[%parallel_loop3A_372, %parallel_loop3A_373] {strides = array<i32>} : memref<512x128xf32, #tpu.memory_space<vmem>>, vector<1x16xf32>,
      %parallel_loop3A_375 = vector.shape_cast %parallel_loop3A_374 : vector<1x16xf32> to vector<16xf32>
      %parallel_loop3A_376 = vector.shape_cast %parallel_loop3A_371 : vector<16xf32> to vector<1x16xf32>
      tpu.vector_store %arg6[%parallel_loop3A_372, %parallel_loop3A_373], %parallel_loop3A_376 {strides = array<i32>} : memref<512x128xf32, #tpu.memory_space<vmem>>, vector<1x16xf32>,
      %parallel_loop3A_377 = arith.index_cast %parallel_loop3A_292 : i32 to index
      %parallel_loop3A_378 = arith.constant 112 : index
      %parallel_loop3A_379 = tpu.vector_load %arg6[%parallel_loop3A_377, %parallel_loop3A_378] {strides = array<i32>} : memref<512x128xf32, #tpu.memory_space<vmem>>, vector<1x16xf32>,
      %parallel_loop3A_380 = vector.shape_cast %parallel_loop3A_379 : vector<1x16xf32> to vector<16xf32>
      %parallel_loop3A_381 = arith.constant 11.3137083 : f32
      %parallel_loop3A_382 = vector.broadcast %parallel_loop3A_381 : f32 to vector<16xf32>
      %parallel_loop3A_383 = arith.mulf %parallel_loop3A_380, %parallel_loop3A_382 : vector<16xf32>
      %parallel_loop3A_384 = arith.index_cast %parallel_loop3A_292 : i32 to index
      %parallel_loop3A_385 = arith.constant 112 : index
      %parallel_loop3A_386 = tpu.vector_load %arg6[%parallel_loop3A_384, %parallel_loop3A_385] {strides = array<i32>} : memref<512x128xf32, #tpu.memory_space<vmem>>, vector<1x16xf32>,
      %parallel_loop3A_387 = vector.shape_cast %parallel_loop3A_386 : vector<1x16xf32> to vector<16xf32>
      %parallel_loop3A_388 = vector.shape_cast %parallel_loop3A_383 : vector<16xf32> to vector<1x16xf32>
      tpu.vector_store %arg6[%parallel_loop3A_384, %parallel_loop3A_385], %parallel_loop3A_388 {strides = array<i32>} : memref<512x128xf32, #tpu.memory_space<vmem>>, vector<1x16xf32>,
    } {sc.loop_unroll_factor = 2 : i64, sc.parallel_access}
    %add3A_276 = arith.constant 448 : i32
    %add3A_277 = arith.addi %mul3A_2, %add3A_276 : i32
    %dma_start3A_278 = arith.constant 448 : i32
    %dma_start3A_279 = arith.constant 0 : i32
    %dma_start3A_280 = tpu.memref_slice %arg6[%dma_start3A_278, %dma_start3A_279] : memref<512x128xf32, #tpu.memory_space<vmem>> -> memref<64x128xf32, #tpu.memory_space<vmem>>
    %dma_start3A_281 = arith.constant 0 : i32
    %dma_start3A_282 = tpu.memref_slice %arg4[%add3A_277, %dma_start3A_281] : memref<16384x128xf32, #tpu.memory_space<hbm>> -> memref<64x128xf32, #tpu.memory_space<hbm>>
    %dma_start3A_283 = arith.constant 0 : i32
    %dma_start3A_284 = tpu.memref_slice %arg4[%add3A_277, %dma_start3A_283] : memref<16384x128xf32, #tpu.memory_space<hbm>> -> memref<64x128xf32, #tpu.memory_space<hbm>>
    %dma_start3A_285 = arith.constant 448 : i32
    %dma_start3A_286 = arith.constant 0 : i32
    %dma_start3A_287 = tpu.memref_slice %arg6[%dma_start3A_285, %dma_start3A_286] : memref<512x128xf32, #tpu.memory_space<vmem>> -> memref<64x128xf32, #tpu.memory_space<vmem>>
    tpu.enqueue_dma source(%dma_start3A_287 : memref<64x128xf32, #tpu.memory_space<vmem>>) target(%dma_start3A_284 : memref<64x128xf32, #tpu.memory_space<hbm>>) target_semaphore(%arg16 : memref<!tpu.dma_semaphore, #tpu.memory_space<semaphore_mem>>)
    %dma_wait3A_288 = arith.constant 0 : i32
    %dma_wait3A_289 = tpu.memref_slice %arg4[%mul3A_2, %dma_wait3A_288] : memref<16384x128xf32, #tpu.memory_space<hbm>> -> memref<512x128xf32, #tpu.memory_space<hbm>>
    %dma_wait3A_290 = arith.constant 0 : i32
    %dma_wait3A_291 = tpu.memref_slice %arg4[%mul3A_2, %dma_wait3A_290] : memref<16384x128xf32, #tpu.memory_space<hbm>> -> memref<512x128xf32, #tpu.memory_space<hbm>>
    tpu.wait_dma2 semaphore(%arg16 : memref<!tpu.dma_semaphore, #tpu.memory_space<semaphore_mem>>) src(%arg6 : memref<512x128xf32, #tpu.memory_space<vmem>>) dst(%dma_wait3A_291 : memref<512x128xf32, #tpu.memory_space<hbm>>)
    return
  }
}

</mosaic_0001>

<sc_bundles>
// kernel: kernel.3.cloned.1.call-start
scs
__scs_entry_jumppad:
0x0: {  	(pc) =	sbr.rel $0x88, $3  }
0x1: {  	(tag) =	ssettag $0x0;
	lr =	simm.s32 $0x1  }
0x2: {  	[smem:$0x3F9F] =	sst lr;
	_ =	strace $0xD0000000  }
0x3: {  	_ = 	snop  }
0x4: {  	_ = 	snop  }
0x5: {  	_ = 	snop  }
0x6: {  	_ = 	snop  }
0x7: {  	_ = 	snop  }
__scs_overlays_trampoline_lowered:
0x8: {  	[smem:$0x3FAE] =	sst s0  }
0x9: {  	[smem:$0x3FAF] =	sst s1  }
0xa: {  	[smem:$0x3FB0] =	sst s2  }
0xb: {  	[smem:$0x3FB1] =	sst s3  }
0xc: {  	[smem:$0x3FB2] =	sst s4  }
0xd: {  	[smem:$0x3FB3] =	sst s5  }
0xe: {  	[smem:$0x3FB4] =	sst s6  }
0xf: {  	[smem:$0x3FB5] =	sst s7  }
0x10: {  	[smem:$0x3FB6] =	sst s8  }
0x11: {  	[smem:$0x3FB7] =	sst s9;
	s0 =	simm.s32 @!p0 $0x0  }
0x12: {  	s1 =	sld [smem:$0x3F9D];
	s0 =	simm.s32 @p0 $0x1  }
0x13: {  	[smem:$0x3FB8] =	sst s0;
	s0 =	simm.s32 @!p1 $0x0  }
0x14: {  	s2 =	sld [smem:$0x3F9C];
	s0 =	simm.s32 @p1 $0x1  }
0x15: {  	[smem:$0x3FB9] =	sst s0;
	s0 =	simm.s32 @!p2 $0x0  }
0x16: {  	s3 =	sld [smem:$0x3FDB];
	s0 =	simm.s32 @p2 $0x1  }
0x17: {  	s4 =	simm.s32 $0x1BF5;
	[smem:$0x3FBB] =	sst s0  }
0x18: {  	s0 =	sld [smem:$0x3F9E];
	_ =	swait.ge [sflag:s4], $0x0  }
0x19: {  	s7 =	sld [smem:$0x3F9F]  }
0x1a: {  	s8 =	sadd.s32 $0xFFFFE003, lr  }
0x1b: {  	s9 =	sadd.s32 $0xFFFFFEF7, lr;
	s5 =	simm.s32 $0xFFFFFFFF;
	p2 =	slt.u32 s8, $0xFFFFF086  }
0x1c: {  	p1 =	slt.u32 s9, $0xF7A;
	s5 =	simm.s32 @!p2 $0x0  }
0x1d: {  	s5 =	simm.s32 @p1 $0x1;
	p0 =	seq.s32 s7, s2  }
0x1e: {  	s7 =	smul.u32 @!p0 $0xF7A, s2;
	p2 =	seq.s32 @!p0 s5, $0x0  }
0x1f: {  	s9 =	smul.u32 $0xF7A, s1;
	s8 =	simm.s32 @!p0 $0x1BF5;
	p2 =	por !p2, p0  }
0x20: {  	[sflag:s8] =	ssyncset.s32 @!p0 $0xFFFFF086;
	s6 =	sadd.s32 @!p0 s3, s7;
	s7 =	simm.s32 @!p0 $0x108  }
0x21: {  	s3 =	sadd.s32 s3, s9;
	s6 =	sadd.s32 @!p0 $0x88, s6;
	s7 =	simm.s32 @p2 $0x1082  }
0x22: {  	[simem:s7], [sflag:s8] =	dma.local @!p0 [hbm:s6], $0xF7A  }
0x23: {  	s9 =	sor.u32 $0xD0000000, s2;
	s6 =	simm.s32 $0x108;
	_ =	swait.ge @!p0 [sflag:s8], $0x0  }
0x24: {  	s3 =	sadd.s32 $0x88, s3;
	s6 =	simm.s32 @!p1 $0x1082;
	[sflag:s4] =	ssyncset.s32 $0xFFFFF086  }
0x25: {  	[simem:s6], [sflag:s4] =	dma.local [hbm:s3], $0xF7A  }
0x26: {  	[smem:$0x3F9F] =	sst s1;
	(tag) =	ssettag s2;
	_ =	strace s9  }
0x27: {  	s1 =	sld [smem:$0x3FAF]  }
0x28: {  	s2 =	sld [smem:$0x3FB0]  }
0x29: {  	s4 =	sld [smem:$0x3FB2]  }
0x2a: {  	p0 =	seq.s32 s5, $0x0;
	s5 =	sld [smem:$0x3FB3]  }
0x2b: {  	s6 =	sld [smem:$0x3FB4]  }
0x2c: {  	s7 =	sld [smem:$0x3FB5]  }
0x2d: {  	s3 =	simm.s32 $0x108;
	s8 =	sld [smem:$0x3FB6]  }
0x2e: {  	s3 =	simm.s32 @!p0 $0x1082;
	s9 =	sld [smem:$0x3FB7]  }
0x2f: {  	lr =	sadd.s32 s0, s3;
	s0 =	sld [smem:$0x3FAE]  }
0x30: {  	s3 =	sld [smem:$0x3FB1]  }
0x31: {  	[smem:$0x3FBA] =	sst s10  }
0x32: {  	s10 =	sld [smem:$0x3FB8];
	_ =	sdelay $0x3  }
0x33: {  	p0 =	seq.s32 s10, $0x1;
	s10 =	sld [smem:$0x3FBA];
	_ =	sdelay $0x3  }
0x34: {  	[smem:$0x3FBA] =	sst s10  }
0x35: {  	s10 =	sld [smem:$0x3FB9];
	_ =	sdelay $0x3  }
0x36: {  	p1 =	seq.s32 s10, $0x1;
	s10 =	sld [smem:$0x3FBA];
	_ =	sdelay $0x3  }
0x37: {  	[smem:$0x3FBA] =	sst s10  }
0x38: {  	s10 =	sld [smem:$0x3FBB]  }
0x39: {  	_ = 	snop;
	(pc) =	sbr.ind lr, $3  }
0x3a: {  	_ = 	snop  }
0x3b: {  	_ = 	snop  }
0x3c: {  	p2 =	seq.s32 s10, $0x1;
	s10 =	sld [smem:$0x3FBA]  }
0x3d: {  	_ =	shalt  }
0x3e: {  	_ =	shalt  }
0x3f: {  	_ =	shalt  }
0x40: {  	_ =	shalt  }
0x41: {  	_ =	shalt  }
0x42: {  	_ =	shalt  }
0x43: {  	_ =	shalt  }
0x44: {  	_ =	shalt  }
0x45: {  	_ =	shalt  }
0x46: {  	_ =	shalt  }
0x47: {  	_ =	shalt  }
0x48: {  	_ =	shalt  }
0x49: {  	_ =	shalt  }
0x4a: {  	_ =	shalt  }
0x4b: {  	_ =	shalt  }
0x4c: {  	_ =	shalt  }
0x4d: {  	_ =	shalt  }
0x4e: {  	_ =	shalt  }
0x4f: {  	_ =	shalt  }
0x50: {  	_ =	shalt  }
0x51: {  	_ =	shalt  }
0x52: {  	_ =	shalt  }
0x53: {  	_ =	shalt  }
0x54: {  	_ =	shalt  }
0x55: {  	_ =	shalt  }
0x56: {  	_ =	shalt  }
0x57: {  	_ =	shalt  }
0x58: {  	_ =	shalt  }
0x59: {  	_ =	shalt  }
0x5a: {  	_ =	shalt  }
0x5b: {  	_ =	shalt  }
0x5c: {  	_ =	shalt  }
0x5d: {  	_ =	shalt  }
0x5e: {  	_ =	shalt  }
0x5f: {  	_ =	shalt  }
0x60: {  	_ =	shalt  }
0x61: {  	_ =	shalt  }
0x62: {  	_ =	shalt  }
0x63: {  	_ =	shalt  }
0x64: {  	_ =	shalt  }
0x65: {  	_ =	shalt  }
0x66: {  	_ =	shalt  }
0x67: {  	_ =	shalt  }
0x68: {  	_ =	shalt  }
0x69: {  	_ =	shalt  }
0x6a: {  	_ =	shalt  }
0x6b: {  	_ =	shalt  }
0x6c: {  	_ =	shalt  }
0x6d: {  	_ =	shalt  }
0x6e: {  	_ =	shalt  }
0x6f: {  	_ =	shalt  }
0x70: {  	_ =	shalt  }
0x71: {  	_ =	shalt  }
0x72: {  	_ =	shalt  }
0x73: {  	_ =	shalt  }
0x74: {  	_ =	shalt  }
0x75: {  	_ =	shalt  }
0x76: {  	_ =	shalt  }
0x77: {  	_ =	shalt  }
0x78: {  	_ =	shalt  }
0x79: {  	_ =	shalt  }
0x7a: {  	_ =	shalt  }
0x7b: {  	_ =	shalt  }
0x7c: {  	_ =	shalt  }
0x7d: {  	_ =	shalt  }
0x7e: {  	_ =	shalt  }
0x7f: {  	_ =	shalt  }
0x80: {  	_ =	shalt  }
0x81: {  	_ =	shalt  }
0x82: {  	_ =	shalt  }
0x83: {  	_ =	shalt  }
0x84: {  	_ =	shalt  }
0x85: {  	_ =	shalt  }
0x86: {  	_ =	shalt  }
0x87: {  	_ =	shalt  }
.Lfunc_end0:
.L_simem_size_0:
called_computation_lowered:
.L_overlay_start_0:
0x88: {  	s2 =	sld [smem:$0x3FD9]  }
0x89: {  	s3 =	sld [smem:$0x3FFE];
	_ =	sdelay $0x1  }
0x8a: {  	s1 =	srdreg.scid  }
0x8b: {  	s0 =	sand.u32 $0x1, s1  }
0x8c: {  	s18 =	sshll.u32 s0, $0xA;
	s2 =	sadd.s32 s3, s2  }
0x8d: {  	s2 =	sadd.s32 s2, s18  }
0x8e: {  	[smem:$0x3FC6] =	sst s2  }
0x8f: {  	_ = 	snop  }
0x90: {  	s2 =	sld [smem:$0x3FC9]  }
0x91: {  	s19 =	sld [smem:$0x3FC8]  }
0x92: {  	s4 =	sld [smem:$0x3FD0];
	(tm) =	ssettm $0x1  }
0x93: {  	s5 =	sld [smem:$0x3FFB];
	_ =	sdelay $0x3  }
0x94: {  	_ =	strace s5  }
0x95: {  	s5 =	sld [smem:$0x3FFC];
	_ =	sdelay $0x3  }
0x96: {  	_ =	strace s5  }
0x97: {  	s5 =	sld [smem:$0x3FFD];
	_ =	sdelay $0x3  }
0x98: {  	_ =	strace s5  }
0x99: {  	_ =	strace $0x8FFFFFFF  }
0x9a: {  	s20 =	sld [smem:$0x3FDB];
	_ =	sdelay $0x1  }
0x9b: {  	s6 =	simm.s32 $_scs_section_size  }
0x9c: {  	s7 =	simm.s32 $_size__tile_overlayer_lowered;
	s8 =	simm.s32 $_tile_overlayer_lowered  }
0x9d: {  	s23 =	simm.s32 $0x1BFF;
	s22 =	sshll.u32 s8, $0x1;
	s5 =	sadd.s32 s6, s20  }
0x9e: {  	s9 =	simm.s32 $0x0;
	s21 =	sshll.u32 s7, $0x1;
	s7 =	sadd.s32 s22, s5  }
0x9f: {  	[timem:s9], [sflag:s23] =	dma.local [hbm:s7], s21  }
0xa0: {  	_ =	swait.ge [sflag:s23], s21  }
0xa1: {  	s6 =	ssub.s32 $0x0, s21;
	[sflag:s23] =	ssyncset.done $0x0  }
0xa2: {  	[sflag:s23] =	ssyncadd.s32 s6;
	_ =	sdelay $0x1  }
0xa3: {  	s24 =	simm.s32 $0x1B8B  }
0xa4: {  	_ =	swait.ge [sflag:s24], $0x1  }
0xa5: {  	[sflag:s24] =	ssyncset.done $0x0  }
0xa6: {  	s25 =	simm.s32 $0x1B8E;
	[sflag:s24] =	ssyncadd.s32 $0xFFFFFFFF  }
0xa7: {  	s26 =	simm.s32 $execute0_lowered;
	[smem:$0x3FD2] =	sst s25  }
0xa8: {  	s6 =	sshll.u32 s26, $0x1;
	_ =	strace $0x80000046;
	[dreg:$0x1] =	wrdreg $0xFFFFFFFF  }
0xa9: {  	s28 =	simm.s32 $_size_execute0_lowered;
	s5 =	sadd.s32 s5, s6;
	[dreg:$0x0] =	wrdreg $0x0  }
0xaa: {  	s6 =	sshll.u32 s28, $0x1;
	[dreg:$0x2] =	wrdreg s5  }
0xab: {  	[dreg:$0x3] =	wrdreg s6  }
0xac: {  	[dreg:$0x4] =	wrdreg $0xC0  }
0xad: {  	_ =	task [dreg:s9], $0x5FFFF  }
0xae: {  	[dreg:$0x1] =	wrdreg $0xFFFFFFFF  }
0xaf: {  	[dreg:$0x0] =	wrdreg $0x60  }
0xb0: {  	[dreg:$0x2] =	wrdreg s2  }
0xb1: {  	[dreg:$0x3] =	wrdreg s19  }
0xb2: {  	[dreg:$0x4] =	wrdreg s4  }
0xb3: {  	[dreg:$0x5] =	wrdreg $0x9  }
0xb4: {  	_ =	task.clear_ibuf [dreg:s9], $0x6FFFF;
	_ =	strace $0x90000046  }
0xb5: {  	s29 =	simm.s32 $0x9;
	_ =	strace $0x80000048  }
0xb6: {  	_ =	swait.ge [sflag:s29], $0x1  }
0xb7: {  	[sflag:s29] =	ssyncadd.s32 $0xFFFFFFFF  }
0xb8: {  	_ =	strace $0x90000048  }
0xb9: {  	_ =	sfence  }
0xba: {  	s30 =	sld [smem:$0x0];
	_ =	sdelay $0x2  }
0xbb: {  	s31 =	sshll.u32 s1, $0xD;
	s1 =	sshrl.u32 s1, $0x2  }
0xbc: {  	s3 =	sand.u32 $0x4000, s31;
	s1 =	sadd.s32 s1, s30  }
0xbd: {  	s0 =	sor.u32 s3, s0;
	s1 =	sshll.u32 s1, $0x11  }
0xbe: {  	s0 =	sor.u32 s1, s0  }
0xbf: {  	s0 =	sadd.s32 $0x8F2B, s0  }
0xc0: {  	[sflag:s0] =	ssyncadd.remote.s32 $0x1  }
0xc1: {  	_ =	sfence.sel $0xFFFF  }
0xc2: {  	[dreg:$0x0] =	wrdreg $0xFFFFFFFF;
	(pc) =	sbr.abs _section_cstart, $3  }
0xc3: {  	[dreg:$0x1] =	wrdreg $0xFFFFFFFF  }
0xc4: {  	_ =	task.clear_ibuf [dreg:s9], $0x2FFFF;
	_ =	strace $0x9FFFFFFF  }
0xc5: {  	(tm) =	ssettm $0x7FFFFFFF  }
tec
execute0_lowered:
.L_overlay_start_1:
0x0: {  	(tag) =	ssettag $0x1  }
0x1: {  	s0 =	rddreg [dreg:$0x0]  }
0x2: {  	s1 =	rddreg [dreg:$0x1]  }
0x3: {  	s2 =	rddreg [dreg:$0x2]  }
0x4: {  	s3 =	simm.s32 $0x0;
	s4 =	srdreg.scid;
	s8 =	stileid.u32  }
0x5: {  	s15 =	simm.s32 $0x200;
	s16 =	simm.s32 $0x1;
	s17 =	simm.s32 $0x40  }
0x6: {  	s23 =	simm.s32 $0x8200;
	s28 =	simm.s32 $0xC200;
	s30 =	simm.s32 $0xE200  }
0x7: {  	s31 =	simm.s32 $0x2;
	s20 =	simm.s32 $0x5;
	s22 =	simm.s32 $0x6  }
0x8: {  	s29 =	simm.s32 $0x9;
	s14 =	simm.s32 $0xA;
	s18 =	simm.s32 $0x0  }
0x9: {  	[smem:$0x7FF] =	sst s3;
	s4 =	sand.u32 $0x1, s4;
	s6 =	sshll.u32 s8, $0x1  }
0xa: {  	s24 =	sshll.u32 s8, $0x2;
	_ =	strace $0x80000047;
	s5 =	ssub.s32 $0x2, s4  }
0xb: {  	s4 =	sor.u32 s4, s6;
	s6 =	sand.u32 $0x30, s24;
	s24 =	simm.s32 $0x7  }
0xc: {  	s7 =	sshrl.u32 s5, $0x1;
	s25 =	sshll.u32 s4, $0x8;
	s4 =	sshll.u32 s4, $0xD  }
0xd: {  	s0 =	sadd.s32 s0, s6;
	s8 =	sand.u32 $0x700, s25;
	s4 =	sadd.s32 s2, s4  }
0xe: {  	s26 =	ssub.s32 s5, s7;
	s25 =	simm.s32 $0xA200;
	s2 =	simm.s32 $0x4  }
0xf: {  	s0 =	sadd.s32 s8, s0;
	s6 =	sadd.s32 $0x400, s4;
	s7 =	sadd.s32 $0x800, s4  }
0x10: {  	s8 =	sadd.s32 $0xC00, s4;
	s9 =	sadd.s32 $0x1000, s4;
	s10 =	sadd.s32 $0x1400, s4  }
0x11: {  	s11 =	sadd.s32 $0x1800, s4;
	s12 =	sadd.s32 $0x1C00, s4;
	s13 =	smax.u32 s26, $0x1  }
0x12: {  	s26 =	simm.s32 $0x8;
	[dreg:$0x4] =	wrdreg s0;
	s0 =	simm.s32 $0x3  }
.LBB2_1:
0x13: {  	s5 =	rddreg [dreg:$0x4];
	s19 =	simm.s32 $0x80  }
0x14: {  	[tilespmem:s3], [sflag:$0x1] =	stream.strided.gather [hbm4b:s5+s19], $0x200, s15, s19, $0x38;
	[tilespmem:$0x10200] =	vst v63  }
0x15: {  	_ =	swait.ge [sflag:s16], $0x200  }
0x16: {  	[sflag:s16] =	ssyncset.done $0x0  }
0x17: {  	[sflag:s16] =	ssyncadd.s32 $0xFFFFFE00  }
0x18: {  	[tilespmem:s15], [sflag:$0x2] =	stream.indirect.gather [hbm4b:s1+s17], $0x80, s3, s17, $0xb8;
	[tilespmem:$0x10200] =	vst v63  }
0x19: {  	s21 =	simm.s32 $0x2200  }
0x1a: {  	[tilespmem:s21], [sflag:$0x3] =	stream.indirect.gather [hbm4b:s1+s17], $0x80, s17, s17, $0xb8;
	[tilespmem:$0x10200] =	vst v63  }
0x1b: {  	s21 =	simm.s32 $0x4200  }
0x1c: {  	[tilespmem:s21], [sflag:$0x4] =	stream.indirect.gather [hbm4b:s1+s17], $0x80, s19, s17, $0xb8;
	[tilespmem:$0x10200] =	vst v63  }
0x1d: {  	s19 =	simm.s32 $0xC0;
	s21 =	simm.s32 $0x6200  }
0x1e: {  	[tilespmem:s21], [sflag:$0x5] =	stream.indirect.gather [hbm4b:s1+s17], $0x80, s19, s17, $0xb8;
	[tilespmem:$0x10200] =	vst v63  }
0x1f: {  	s19 =	simm.s32 $0x100  }
0x20: {  	[tilespmem:s23], [sflag:$0x6] =	stream.indirect.gather [hbm4b:s1+s17], $0x80, s19, s17, $0xb8;
	[tilespmem:$0x10200] =	vst v63  }
0x21: {  	s21 =	simm.s32 $0x140  }
0x22: {  	[tilespmem:s25], [sflag:$0x7] =	stream.indirect.gather [hbm4b:s1+s17], $0x80, s21, s17, $0xb8;
	[tilespmem:$0x10200] =	vst v63  }
0x23: {  	s19 =	simm.s32 $0x180  }
0x24: {  	[tilespmem:s28], [sflag:$0x8] =	stream.indirect.gather [hbm4b:s1+s17], $0x80, s19, s17, $0xb8;
	[tilespmem:$0x10200] =	vst v63  }
0x25: {  	s21 =	simm.s32 $0x1C0  }
0x26: {  	[tilespmem:s30], [sflag:$0x9] =	stream.indirect.gather [hbm4b:s1+s17], $0x80, s21, s17, $0xb8;
	[tilespmem:$0x10200] =	vst v63  }
0x27: {  	_ =	swait.ge [sflag:s31], $0x2000  }
0x28: {  	[sflag:s31] =	ssyncset.done $0x0  }
0x29: {  	s19 =	simm.s32 $0x280;
	[sflag:s31] =	ssyncadd.s32 $0xFFFFE000  }
0x2a: {  	v0 =	vld [tilespmem:s19+$0x70]  }
0x2b: {  	v1 =	vld [tilespmem:s19+$0xFFFFFF90]  }
0x2c: {  	v2 =	vld [tilespmem:s19+$0xFFFFFFA0]  }
0x2d: {  	v3 =	vld [tilespmem:s19+$0xFFFFFFB0]  }
0x2e: {  	v4 =	vld [tilespmem:s19+$0xFFFFFFC0]  }
0x2f: {  	v5 =	vld [tilespmem:s19+$0xFFFFFFD0];
	v0 =	vmul.f32 $1.131370830e+01, v0  }
0x30: {  	v6 =	vld [tilespmem:s19+$0xFFFFFFE0];
	v1 =	vmul.f32 $1.131370830e+01, v1  }
0x31: {  	v7 =	vld [tilespmem:s19+$0xFFFFFFF0];
	v2 =	vmul.f32 $1.131370830e+01, v2;
	[tilespmem:s19+$0x70] =	vst v0  }
0x32: {  	[tilespmem:s19+$0xFFFFFF90] =	vst v1;
	v0 =	vmul.f32 $1.131370830e+01, v3;
	v3 =	vld [tilespmem:s19+$0x0]  }
0x33: {  	[tilespmem:s19+$0xFFFFFFA0] =	vst v2;
	v1 =	vmul.f32 $1.131370830e+01, v4;
	v4 =	vld [tilespmem:s19+$0x10]  }
0x34: {  	v8 =	vld [tilespmem:s19+$0x20];
	v2 =	vmul.f32 $1.131370830e+01, v5;
	[tilespmem:s19+$0xFFFFFFB0] =	vst v0  }
0x35: {  	v5 =	vmul.f32 $1.131370830e+01, v6;
	[tilespmem:s19+$0xFFFFFFC0] =	vst v1;
	v0 =	vld [tilespmem:s19+$0x30]  }
0x36: {  	v6 =	vmul.f32 $1.131370830e+01, v7;
	[tilespmem:s19+$0xFFFFFFD0] =	vst v2;
	v1 =	vld [tilespmem:s19+$0x40]  }
0x37: {  	[tilespmem:s19+$0xFFFFFFE0] =	vst v5;
	v2 =	vld [tilespmem:s19+$0x50];
	v7 =	vmul.f32 $1.131370830e+01, v3  }
0x38: {  	[tilespmem:s19+$0xFFFFFFF0] =	vst v6;
	v3 =	vld [tilespmem:s19+$0x60];
	v5 =	vmul.f32 $1.131370830e+01, v4  }
0x39: {  	s5 =	simm.s32 $0x380;
	s21 =	simm.s32 $0x0;
	v6 =	vmul.f32 $1.131370830e+01, v8;
	v4 =	vld [tilespmem:s19+$0xFFFFFF80];
	[tilespmem:s19+$0x0] =	vst v7  }
.LBB2_2:
0x3a: {  	v7 =	vld [tilespmem:s5+$0x70];
	s21 =	sadd.s32 $0x2, s21;
	[tilespmem:s19+$0x10] =	vst v5;
	v0 =	vmul.f32 $1.131370830e+01, v0  }
0x3b: {  	v5 =	vld [tilespmem:s5+$0xFFFFFF90];
	p0 =	slt.u32 s21, $0x3E;
	[tilespmem:s19+$0x20] =	vst v6;
	v1 =	vmul.f32 $1.131370830e+01, v1  }
0x3c: {  	v6 =	vld [tilespmem:s5+$0xFFFFFFA0];
	[tilespmem:s19+$0x30] =	vst v0;
	v0 =	vmul.f32 $1.131370830e+01, v2  }
0x3d: {  	v2 =	vld [tilespmem:s5+$0xFFFFFFB0];
	[tilespmem:s19+$0x40] =	vst v1;
	v1 =	vmul.f32 $1.131370830e+01, v3  }
0x3e: {  	v3 =	vld [tilespmem:s5+$0xFFFFFFC0];
	v4 =	vmul.f32 $1.131370830e+01, v4;
	[tilespmem:s19+$0x50] =	vst v0  }
0x3f: {  	v0 =	vld [tilespmem:s5+$0xFFFFFFD0];
	v7 =	vmul.f32 $1.131370830e+01, v7;
	[tilespmem:s19+$0x60] =	vst v1  }
0x40: {  	v1 =	vmul.f32 $1.131370830e+01, v5;
	v5 =	vld [tilespmem:s5+$0xFFFFFFE0];
	[tilespmem:s19+$0xFFFFFF80] =	vst v4;
	s19 =	smov.u32 s5  }
0x41: {  	v4 =	vmul.f32 $1.131370830e+01, v6;
	v6 =	vld [tilespmem:s5+$0xFFFFFFF0];
	[tilespmem:s5+$0x70] =	vst v7  }
0x42: {  	[tilespmem:s5+$0xFFFFFF90] =	vst v1;
	v1 =	vmul.f32 $1.131370830e+01, v2;
	v2 =	vld [tilespmem:s5+$0x0]  }
0x43: {  	[tilespmem:s5+$0xFFFFFFA0] =	vst v4;
	v3 =	vmul.f32 $1.131370830e+01, v3;
	v4 =	vld [tilespmem:s5+$0x10]  }
0x44: {  	[tilespmem:s5+$0xFFFFFFB0] =	vst v1;
	v1 =	vmul.f32 $1.131370830e+01, v0;
	v7 =	vld [tilespmem:s5+$0x20]  }
.Ltmp0:
0x45: {  	[tilespmem:s5+$0xFFFFFFC0] =	vst v3;
	v3 =	vmul.f32 $1.131370830e+01, v5;
	v0 =	vld [tilespmem:s5+$0x30];
	(pc) =	sbr.rel @p0 .LBB2_2-.Ltmp0, $4  }
0x46: {  	[tilespmem:s5+$0xFFFFFFD0] =	vst v1;
	v5 =	vmul.f32 $1.131370830e+01, v6;
	v1 =	vld [tilespmem:s5+$0x40]  }
0x47: {  	[tilespmem:s5+$0xFFFFFFE0] =	vst v3;
	v6 =	vmul.f32 $1.131370830e+01, v2;
	v2 =	vld [tilespmem:s5+$0x50]  }
0x48: {  	[tilespmem:s5+$0xFFFFFFF0] =	vst v5;
	v5 =	vmul.f32 $1.131370830e+01, v4;
	v3 =	vld [tilespmem:s5+$0x60]  }
0x49: {  	s5 =	sadd.s32 $0x100, s5;
	v4 =	vld [tilespmem:s19+$0xFFFFFF80];
	[tilespmem:s19+$0x0] =	vst v6;
	v6 =	vmul.f32 $1.131370830e+01, v7  }
0x4a: {  	[tilespmem:s19+$0x10] =	vst v5;
	v0 =	vmul.f32 $1.131370830e+01, v0  }
0x4b: {  	[tilespmem:s19+$0x20] =	vst v6;
	v1 =	vmul.f32 $1.131370830e+01, v1  }
0x4c: {  	[tilespmem:s19+$0x30] =	vst v0;
	v0 =	vmul.f32 $1.131370830e+01, v2  }
0x4d: {  	[tilespmem:s19+$0x40] =	vst v1;
	v1 =	vmul.f32 $1.131370830e+01, v3  }
0x4e: {  	v2 =	vmul.f32 $1.131370830e+01, v4;
	[tilespmem:s19+$0x50] =	vst v0  }
0x4f: {  	[tilespmem:s19+$0x60] =	vst v1  }
0x50: {  	[tilespmem:s19+$0xFFFFFF80] =	vst v2  }
0x51: {  	[hbm4b:s4+s3] =	stream.linear.scatter [tilespmem:s15], [sflag:$0xA], $0x2000, $0x38;
	[tilespmem:$0x10200] =	vst v63  }
0x52: {  	_ =	swait.ge [sflag:s0], $0x2000  }
0x53: {  	[sflag:s0] =	ssyncset.done $0x0  }
0x54: {  	s19 =	simm.s32 $0x22F0;
	[sflag:s0] =	ssyncadd.s32 $0xFFFFE000  }
0x55: {  	v0 =	vld [tilespmem:s19+$0x0]  }
0x56: {  	v1 =	vld [tilespmem:s19+$0xFFFFFF20]  }
0x57: {  	v2 =	vld [tilespmem:s19+$0xFFFFFF30]  }
0x58: {  	v3 =	vld [tilespmem:s19+$0xFFFFFF40]  }
0x59: {  	v4 =	vld [tilespmem:s19+$0xFFFFFF50]  }
0x5a: {  	v5 =	vld [tilespmem:s19+$0xFFFFFF60];
	v0 =	vmul.f32 $1.131370830e+01, v0  }
0x5b: {  	v6 =	vld [tilespmem:s19+$0xFFFFFF70];
	v1 =	vmul.f32 $1.131370830e+01, v1  }
0x5c: {  	v7 =	vld [tilespmem:s19+$0xFFFFFF80];
	v2 =	vmul.f32 $1.131370830e+01, v2;
	[tilespmem:s19+$0x0] =	vst v0  }
0x5d: {  	[tilespmem:s19+$0xFFFFFF20] =	vst v1;
	v0 =	vmul.f32 $1.131370830e+01, v3;
	v3 =	vld [tilespmem:s19+$0xFFFFFF90]  }
0x5e: {  	[tilespmem:s19+$0xFFFFFF30] =	vst v2;
	v1 =	vmul.f32 $1.131370830e+01, v4;
	v4 =	vld [tilespmem:s19+$0xFFFFFFA0]  }
0x5f: {  	v8 =	vld [tilespmem:s19+$0xFFFFFFB0];
	v2 =	vmul.f32 $1.131370830e+01, v5;
	[tilespmem:s19+$0xFFFFFF40] =	vst v0  }
0x60: {  	v5 =	vmul.f32 $1.131370830e+01, v6;
	[tilespmem:s19+$0xFFFFFF50] =	vst v1;
	v0 =	vld [tilespmem:s19+$0xFFFFFFC0]  }
0x61: {  	v6 =	vmul.f32 $1.131370830e+01, v7;
	[tilespmem:s19+$0xFFFFFF60] =	vst v2;
	v1 =	vld [tilespmem:s19+$0xFFFFFFD0]  }
0x62: {  	[tilespmem:s19+$0xFFFFFF70] =	vst v5;
	v2 =	vld [tilespmem:s19+$0xFFFFFFE0];
	v7 =	vmul.f32 $1.131370830e+01, v3  }
0x63: {  	[tilespmem:s19+$0xFFFFFF80] =	vst v6;
	v3 =	vld [tilespmem:s19+$0xFFFFFFF0];
	v5 =	vmul.f32 $1.131370830e+01, v4  }
0x64: {  	s21 =	simm.s32 $0x40;
	s5 =	simm.s32 $0x23F0;
	v6 =	vmul.f32 $1.131370830e+01, v8;
	v4 =	vld [tilespmem:s19+$0xFFFFFF10];
	[tilespmem:s19+$0xFFFFFF90] =	vst v7  }
.LBB2_4:
0x65: {  	v7 =	vld [tilespmem:s5+$0x0];
	s21 =	sadd.s32 $0x2, s21;
	[tilespmem:s19+$0xFFFFFFA0] =	vst v5;
	v0 =	vmul.f32 $1.131370830e+01, v0  }
0x66: {  	v5 =	vld [tilespmem:s5+$0xFFFFFF20];
	p0 =	slt.u32 s21, $0x7E;
	[tilespmem:s19+$0xFFFFFFB0] =	vst v6;
	v1 =	vmul.f32 $1.131370830e+01, v1  }
0x67: {  	v6 =	vld [tilespmem:s5+$0xFFFFFF30];
	[tilespmem:s19+$0xFFFFFFC0] =	vst v0;
	v0 =	vmul.f32 $1.131370830e+01, v2  }
0x68: {  	v2 =	vld [tilespmem:s5+$0xFFFFFF40];
	[tilespmem:s19+$0xFFFFFFD0] =	vst v1;
	v1 =	vmul.f32 $1.131370830e+01, v3  }
0x69: {  	v3 =	vld [tilespmem:s5+$0xFFFFFF50];
	v4 =	vmul.f32 $1.131370830e+01, v4;
	[tilespmem:s19+$0xFFFFFFE0] =	vst v0  }
0x6a: {  	v0 =	vld [tilespmem:s5+$0xFFFFFF60];
	v7 =	vmul.f32 $1.131370830e+01, v7;
	[tilespmem:s19+$0xFFFFFFF0] =	vst v1  }
0x6b: {  	v1 =	vmul.f32 $1.131370830e+01, v5;
	v5 =	vld [tilespmem:s5+$0xFFFFFF70];
	[tilespmem:s19+$0xFFFFFF10] =	vst v4;
	s19 =	smov.u32 s5  }
0x6c: {  	v4 =	vmul.f32 $1.131370830e+01, v6;
	v6 =	vld [tilespmem:s5+$0xFFFFFF80];
	[tilespmem:s5+$0x0] =	vst v7  }
0x6d: {  	[tilespmem:s5+$0xFFFFFF20] =	vst v1;
	v1 =	vmul.f32 $1.131370830e+01, v2;
	v2 =	vld [tilespmem:s5+$0xFFFFFF90]  }
0x6e: {  	[tilespmem:s5+$0xFFFFFF30] =	vst v4;
	v3 =	vmul.f32 $1.131370830e+01, v3;
	v4 =	vld [tilespmem:s5+$0xFFFFFFA0]  }
0x6f: {  	[tilespmem:s5+$0xFFFFFF40] =	vst v1;
	v1 =	vmul.f32 $1.131370830e+01, v0;
	v7 =	vld [tilespmem:s5+$0xFFFFFFB0]  }
.Ltmp1:
0x70: {  	[tilespmem:s5+$0xFFFFFF50] =	vst v3;
	v3 =	vmul.f32 $1.131370830e+01, v5;
	v0 =	vld [tilespmem:s5+$0xFFFFFFC0];
	(pc) =	sbr.rel @p0 .LBB2_4-.Ltmp1, $4  }
0x71: {  	[tilespmem:s5+$0xFFFFFF60] =	vst v1;
	v5 =	vmul.f32 $1.131370830e+01, v6;
	v1 =	vld [tilespmem:s5+$0xFFFFFFD0]  }
0x72: {  	[tilespmem:s5+$0xFFFFFF70] =	vst v3;
	v6 =	vmul.f32 $1.131370830e+01, v2;
	v2 =	vld [tilespmem:s5+$0xFFFFFFE0]  }
0x73: {  	[tilespmem:s5+$0xFFFFFF80] =	vst v5;
	v5 =	vmul.f32 $1.131370830e+01, v4;
	v3 =	vld [tilespmem:s5+$0xFFFFFFF0]  }
0x74: {  	s5 =	sadd.s32 $0x100, s5;
	v4 =	vld [tilespmem:s19+$0xFFFFFF10];
	[tilespmem:s19+$0xFFFFFF90] =	vst v6;
	v6 =	vmul.f32 $1.131370830e+01, v7  }
0x75: {  	[tilespmem:s19+$0xFFFFFFA0] =	vst v5;
	v0 =	vmul.f32 $1.131370830e+01, v0  }
0x76: {  	[tilespmem:s19+$0xFFFFFFB0] =	vst v6;
	v1 =	vmul.f32 $1.131370830e+01, v1  }
0x77: {  	[tilespmem:s19+$0xFFFFFFC0] =	vst v0;
	v0 =	vmul.f32 $1.131370830e+01, v2  }
0x78: {  	[tilespmem:s19+$0xFFFFFFD0] =	vst v1;
	v1 =	vmul.f32 $1.131370830e+01, v3  }
0x79: {  	v2 =	vmul.f32 $1.131370830e+01, v4;
	[tilespmem:s19+$0xFFFFFFE0] =	vst v0  }
0x7a: {  	[tilespmem:s19+$0xFFFFFFF0] =	vst v1  }
0x7b: {  	s5 =	simm.s32 $0x2200;
	[tilespmem:s19+$0xFFFFFF10] =	vst v2  }
0x7c: {  	[hbm4b:s6+s3] =	stream.linear.scatter [tilespmem:s5], [sflag:$0xA], $0x2000, $0x38;
	[tilespmem:$0x10200] =	vst v63  }
0x7d: {  	_ =	swait.ge [sflag:s2], $0x2000  }
0x7e: {  	[sflag:s2] =	ssyncset.done $0x0  }
0x7f: {  	s19 =	simm.s32 $0x4200;
	[sflag:s2] =	ssyncadd.s32 $0xFFFFE000  }
0x80: {  	v0 =	vld [tilespmem:s19+$0xF0]  }
0x81: {  	v1 =	vld [tilespmem:s19+$0x10]  }
0x82: {  	v2 =	vld [tilespmem:s19+$0x20]  }
0x83: {  	v3 =	vld [tilespmem:s19+$0x30]  }
0x84: {  	v4 =	vld [tilespmem:s19+$0x40]  }
0x85: {  	v5 =	vld [tilespmem:s19+$0x50];
	v0 =	vmul.f32 $1.131370830e+01, v0  }
0x86: {  	v6 =	vld [tilespmem:s19+$0x60];
	v1 =	vmul.f32 $1.131370830e+01, v1  }
0x87: {  	v7 =	vld [tilespmem:s19+$0x70];
	v2 =	vmul.f32 $1.131370830e+01, v2;
	[tilespmem:s19+$0xF0] =	vst v0  }
0x88: {  	[tilespmem:s19+$0x10] =	vst v1;
	v0 =	vmul.f32 $1.131370830e+01, v3;
	v3 =	vld [tilespmem:s19+$0x80]  }
0x89: {  	[tilespmem:s19+$0x20] =	vst v2;
	v1 =	vmul.f32 $1.131370830e+01, v4;
	v4 =	vld [tilespmem:s19+$0x90]  }
0x8a: {  	v8 =	vld [tilespmem:s19+$0xA0];
	v2 =	vmul.f32 $1.131370830e+01, v5;
	[tilespmem:s19+$0x30] =	vst v0  }
0x8b: {  	v5 =	vmul.f32 $1.131370830e+01, v6;
	[tilespmem:s19+$0x40] =	vst v1;
	v0 =	vld [tilespmem:s19+$0xB0]  }
0x8c: {  	v6 =	vmul.f32 $1.131370830e+01, v7;
	[tilespmem:s19+$0x50] =	vst v2;
	v1 =	vld [tilespmem:s19+$0xC0]  }
0x8d: {  	[tilespmem:s19+$0x60] =	vst v5;
	v2 =	vld [tilespmem:s19+$0xD0];
	v7 =	vmul.f32 $1.131370830e+01, v3  }
0x8e: {  	[tilespmem:s19+$0x70] =	vst v6;
	v3 =	vld [tilespmem:s19+$0xE0];
	v5 =	vmul.f32 $1.131370830e+01, v4  }
0x8f: {  	s21 =	simm.s32 $0x80;
	s5 =	simm.s32 $0x4300;
	v6 =	vmul.f32 $1.131370830e+01, v8;
	v4 =	vld [tilespmem:s19+$0x0];
	[tilespmem:s19+$0x80] =	vst v7  }
.LBB2_6:
0x90: {  	v7 =	vld [tilespmem:s5+$0xF0];
	s21 =	sadd.s32 $0x2, s21;
	[tilespmem:s19+$0x90] =	vst v5;
	v0 =	vmul.f32 $1.131370830e+01, v0  }
0x91: {  	v5 =	vld [tilespmem:s5+$0x10];
	p0 =	slt.u32 s21, $0xBE;
	[tilespmem:s19+$0xA0] =	vst v6;
	v1 =	vmul.f32 $1.131370830e+01, v1  }
0x92: {  	v6 =	vld [tilespmem:s5+$0x20];
	[tilespmem:s19+$0xB0] =	vst v0;
	v0 =	vmul.f32 $1.131370830e+01, v2  }
0x93: {  	v2 =	vld [tilespmem:s5+$0x30];
	[tilespmem:s19+$0xC0] =	vst v1;
	v1 =	vmul.f32 $1.131370830e+01, v3  }
0x94: {  	v3 =	vld [tilespmem:s5+$0x40];
	v4 =	vmul.f32 $1.131370830e+01, v4;
	[tilespmem:s19+$0xD0] =	vst v0  }
0x95: {  	v0 =	vld [tilespmem:s5+$0x50];
	v7 =	vmul.f32 $1.131370830e+01, v7;
	[tilespmem:s19+$0xE0] =	vst v1  }
0x96: {  	v1 =	vmul.f32 $1.131370830e+01, v5;
	v5 =	vld [tilespmem:s5+$0x60];
	[tilespmem:s19+$0x0] =	vst v4;
	s19 =	smov.u32 s5  }
0x97: {  	v4 =	vmul.f32 $1.131370830e+01, v6;
	v6 =	vld [tilespmem:s5+$0x70];
	[tilespmem:s5+$0xF0] =	vst v7  }
0x98: {  	[tilespmem:s5+$0x10] =	vst v1;
	v1 =	vmul.f32 $1.131370830e+01, v2;
	v2 =	vld [tilespmem:s5+$0x80]  }
0x99: {  	[tilespmem:s5+$0x20] =	vst v4;
	v3 =	vmul.f32 $1.131370830e+01, v3;
	v4 =	vld [tilespmem:s5+$0x90]  }
0x9a: {  	[tilespmem:s5+$0x30] =	vst v1;
	v1 =	vmul.f32 $1.131370830e+01, v0;
	v7 =	vld [tilespmem:s5+$0xA0]  }
.Ltmp2:
0x9b: {  	[tilespmem:s5+$0x40] =	vst v3;
	v3 =	vmul.f32 $1.131370830e+01, v5;
	v0 =	vld [tilespmem:s5+$0xB0];
	(pc) =	sbr.rel @p0 .LBB2_6-.Ltmp2, $4  }
0x9c: {  	[tilespmem:s5+$0x50] =	vst v1;
	v5 =	vmul.f32 $1.131370830e+01, v6;
	v1 =	vld [tilespmem:s5+$0xC0]  }
0x9d: {  	[tilespmem:s5+$0x60] =	vst v3;
	v6 =	vmul.f32 $1.131370830e+01, v2;
	v2 =	vld [tilespmem:s5+$0xD0]  }
0x9e: {  	[tilespmem:s5+$0x70] =	vst v5;
	v5 =	vmul.f32 $1.131370830e+01, v4;
	v3 =	vld [tilespmem:s5+$0xE0]  }
0x9f: {  	s5 =	sadd.s32 $0x100, s5;
	v4 =	vld [tilespmem:s19+$0x0];
	[tilespmem:s19+$0x80] =	vst v6;
	v6 =	vmul.f32 $1.131370830e+01, v7  }
0xa0: {  	[tilespmem:s19+$0x90] =	vst v5;
	v0 =	vmul.f32 $1.131370830e+01, v0  }
0xa1: {  	[tilespmem:s19+$0xA0] =	vst v6;
	v1 =	vmul.f32 $1.131370830e+01, v1  }
0xa2: {  	[tilespmem:s19+$0xB0] =	vst v0;
	v0 =	vmul.f32 $1.131370830e+01, v2  }
0xa3: {  	[tilespmem:s19+$0xC0] =	vst v1;
	v1 =	vmul.f32 $1.131370830e+01, v3  }
0xa4: {  	v2 =	vmul.f32 $1.131370830e+01, v4;
	[tilespmem:s19+$0xD0] =	vst v0  }
0xa5: {  	[tilespmem:s19+$0xE0] =	vst v1  }
0xa6: {  	s5 =	simm.s32 $0x4200;
	[tilespmem:s19+$0x0] =	vst v2  }
0xa7: {  	[hbm4b:s7+s3] =	stream.linear.scatter [tilespmem:s5], [sflag:$0xA], $0x2000, $0x38;
	[tilespmem:$0x10200] =	vst v63  }
0xa8: {  	_ =	swait.ge [sflag:s20], $0x2000  }
0xa9: {  	[sflag:s20] =	ssyncset.done $0x0  }
0xaa: {  	s19 =	simm.s32 $0x6200;
	[sflag:s20] =	ssyncadd.s32 $0xFFFFE000  }
0xab: {  	v0 =	vld [tilespmem:s19+$0xF0]  }
0xac: {  	v1 =	vld [tilespmem:s19+$0x10]  }
0xad: {  	v2 =	vld [tilespmem:s19+$0x20]  }
0xae: {  	v3 =	vld [tilespmem:s19+$0x30]  }
0xaf: {  	v4 =	vld [tilespmem:s19+$0x40]  }
0xb0: {  	v5 =	vld [tilespmem:s19+$0x50];
	v0 =	vmul.f32 $1.131370830e+01, v0  }
0xb1: {  	v6 =	vld [tilespmem:s19+$0x60];
	v1 =	vmul.f32 $1.131370830e+01, v1  }
0xb2: {  	v7 =	vld [tilespmem:s19+$0x70];
	v2 =	vmul.f32 $1.131370830e+01, v2;
	[tilespmem:s19+$0xF0] =	vst v0  }
0xb3: {  	[tilespmem:s19+$0x10] =	vst v1;
	v0 =	vmul.f32 $1.131370830e+01, v3;
	v3 =	vld [tilespmem:s19+$0x80]  }
0xb4: {  	[tilespmem:s19+$0x20] =	vst v2;
	v1 =	vmul.f32 $1.131370830e+01, v4;
	v4 =	vld [tilespmem:s19+$0x90]  }
0xb5: {  	v8 =	vld [tilespmem:s19+$0xA0];
	v2 =	vmul.f32 $1.131370830e+01, v5;
	[tilespmem:s19+$0x30] =	vst v0  }
0xb6: {  	v5 =	vmul.f32 $1.131370830e+01, v6;
	[tilespmem:s19+$0x40] =	vst v1;
	v0 =	vld [tilespmem:s19+$0xB0]  }
0xb7: {  	v6 =	vmul.f32 $1.131370830e+01, v7;
	[tilespmem:s19+$0x50] =	vst v2;
	v1 =	vld [tilespmem:s19+$0xC0]  }
0xb8: {  	[tilespmem:s19+$0x60] =	vst v5;
	v2 =	vld [tilespmem:s19+$0xD0];
	v7 =	vmul.f32 $1.131370830e+01, v3  }
0xb9: {  	[tilespmem:s19+$0x70] =	vst v6;
	v3 =	vld [tilespmem:s19+$0xE0];
	v5 =	vmul.f32 $1.131370830e+01, v4  }
0xba: {  	s21 =	simm.s32 $0xC0;
	s5 =	simm.s32 $0x6300;
	v6 =	vmul.f32 $1.131370830e+01, v8;
	v4 =	vld [tilespmem:s19+$0x0];
	[tilespmem:s19+$0x80] =	vst v7  }
.LBB2_8:
0xbb: {  	v7 =	vld [tilespmem:s5+$0xF0];
	s21 =	sadd.s32 $0x2, s21;
	[tilespmem:s19+$0x90] =	vst v5;
	v0 =	vmul.f32 $1.131370830e+01, v0  }
0xbc: {  	v5 =	vld [tilespmem:s5+$0x10];
	p0 =	slt.u32 s21, $0xFE;
	[tilespmem:s19+$0xA0] =	vst v6;
	v1 =	vmul.f32 $1.131370830e+01, v1  }
0xbd: {  	v6 =	vld [tilespmem:s5+$0x20];
	[tilespmem:s19+$0xB0] =	vst v0;
	v0 =	vmul.f32 $1.131370830e+01, v2  }
0xbe: {  	v2 =	vld [tilespmem:s5+$0x30];
	[tilespmem:s19+$0xC0] =	vst v1;
	v1 =	vmul.f32 $1.131370830e+01, v3  }
0xbf: {  	v3 =	vld [tilespmem:s5+$0x40];
	v4 =	vmul.f32 $1.131370830e+01, v4;
	[tilespmem:s19+$0xD0] =	vst v0  }
0xc0: {  	v0 =	vld [tilespmem:s5+$0x50];
	v7 =	vmul.f32 $1.131370830e+01, v7;
	[tilespmem:s19+$0xE0] =	vst v1  }
0xc1: {  	v1 =	vmul.f32 $1.131370830e+01, v5;
	v5 =	vld [tilespmem:s5+$0x60];
	[tilespmem:s19+$0x0] =	vst v4;
	s19 =	smov.u32 s5  }
0xc2: {  	v4 =	vmul.f32 $1.131370830e+01, v6;
	v6 =	vld [tilespmem:s5+$0x70];
	[tilespmem:s5+$0xF0] =	vst v7  }
0xc3: {  	[tilespmem:s5+$0x10] =	vst v1;
	v1 =	vmul.f32 $1.131370830e+01, v2;
	v2 =	vld [tilespmem:s5+$0x80]  }
0xc4: {  	[tilespmem:s5+$0x20] =	vst v4;
	v3 =	vmul.f32 $1.131370830e+01, v3;
	v4 =	vld [tilespmem:s5+$0x90]  }
0xc5: {  	[tilespmem:s5+$0x30] =	vst v1;
	v1 =	vmul.f32 $1.131370830e+01, v0;
	v7 =	vld [tilespmem:s5+$0xA0]  }
.Ltmp3:
0xc6: {  	[tilespmem:s5+$0x40] =	vst v3;
	v3 =	vmul.f32 $1.131370830e+01, v5;
	v0 =	vld [tilespmem:s5+$0xB0];
	(pc) =	sbr.rel @p0 .LBB2_8-.Ltmp3, $4  }
0xc7: {  	[tilespmem:s5+$0x50] =	vst v1;
	v5 =	vmul.f32 $1.131370830e+01, v6;
	v1 =	vld [tilespmem:s5+$0xC0]  }
0xc8: {  	[tilespmem:s5+$0x60] =	vst v3;
	v6 =	vmul.f32 $1.131370830e+01, v2;
	v2 =	vld [tilespmem:s5+$0xD0]  }
0xc9: {  	[tilespmem:s5+$0x70] =	vst v5;
	v5 =	vmul.f32 $1.131370830e+01, v4;
	v3 =	vld [tilespmem:s5+$0xE0]  }
0xca: {  	s5 =	sadd.s32 $0x100, s5;
	v4 =	vld [tilespmem:s19+$0x0];
	[tilespmem:s19+$0x80] =	vst v6;
	v6 =	vmul.f32 $1.131370830e+01, v7  }
0xcb: {  	[tilespmem:s19+$0x90] =	vst v5;
	v0 =	vmul.f32 $1.131370830e+01, v0  }
0xcc: {  	[tilespmem:s19+$0xA0] =	vst v6;
	v1 =	vmul.f32 $1.131370830e+01, v1  }
0xcd: {  	[tilespmem:s19+$0xB0] =	vst v0;
	v0 =	vmul.f32 $1.131370830e+01, v2  }
0xce: {  	[tilespmem:s19+$0xC0] =	vst v1;
	v1 =	vmul.f32 $1.131370830e+01, v3  }
0xcf: {  	v2 =	vmul.f32 $1.131370830e+01, v4;
	[tilespmem:s19+$0xD0] =	vst v0  }
0xd0: {  	[tilespmem:s19+$0xE0] =	vst v1  }
0xd1: {  	s5 =	simm.s32 $0x6200;
	[tilespmem:s19+$0x0] =	vst v2  }
0xd2: {  	[hbm4b:s8+s3] =	stream.linear.scatter [tilespmem:s5], [sflag:$0xA], $0x2000, $0x38;
	[tilespmem:$0x10200] =	vst v63  }
0xd3: {  	_ =	swait.ge [sflag:s22], $0x2000  }
0xd4: {  	[sflag:s22] =	ssyncset.done $0x0  }
0xd5: {  	s19 =	simm.s32 $0x8200;
	[sflag:s22] =	ssyncadd.s32 $0xFFFFE000  }
0xd6: {  	v0 =	vld [tilespmem:s19+$0xF0]  }
0xd7: {  	v1 =	vld [tilespmem:s19+$0x10]  }
0xd8: {  	v2 =	vld [tilespmem:s19+$0x20]  }
0xd9: {  	v3 =	vld [tilespmem:s19+$0x30]  }
0xda: {  	v4 =	vld [tilespmem:s19+$0x40]  }
0xdb: {  	v5 =	vld [tilespmem:s19+$0x50];
	v0 =	vmul.f32 $1.131370830e+01, v0  }
0xdc: {  	v6 =	vld [tilespmem:s19+$0x60];
	v1 =	vmul.f32 $1.131370830e+01, v1  }
0xdd: {  	v7 =	vld [tilespmem:s19+$0x70];
	v2 =	vmul.f32 $1.131370830e+01, v2;
	[tilespmem:s19+$0xF0] =	vst v0  }
0xde: {  	[tilespmem:s19+$0x10] =	vst v1;
	v0 =	vmul.f32 $1.131370830e+01, v3;
	v3 =	vld [tilespmem:s19+$0x80]  }
0xdf: {  	[tilespmem:s19+$0x20] =	vst v2;
	v1 =	vmul.f32 $1.131370830e+01, v4;
	v4 =	vld [tilespmem:s19+$0x90]  }
0xe0: {  	v8 =	vld [tilespmem:s19+$0xA0];
	v2 =	vmul.f32 $1.131370830e+01, v5;
	[tilespmem:s19+$0x30] =	vst v0  }
0xe1: {  	v5 =	vmul.f32 $1.131370830e+01, v6;
	[tilespmem:s19+$0x40] =	vst v1;
	v0 =	vld [tilespmem:s19+$0xB0]  }
0xe2: {  	v6 =	vmul.f32 $1.131370830e+01, v7;
	[tilespmem:s19+$0x50] =	vst v2;
	v1 =	vld [tilespmem:s19+$0xC0]  }
0xe3: {  	[tilespmem:s19+$0x60] =	vst v5;
	v2 =	vld [tilespmem:s19+$0xD0];
	v7 =	vmul.f32 $1.131370830e+01, v3  }
0xe4: {  	[tilespmem:s19+$0x70] =	vst v6;
	v3 =	vld [tilespmem:s19+$0xE0];
	v5 =	vmul.f32 $1.131370830e+01, v4  }
0xe5: {  	s21 =	simm.s32 $0x100;
	s5 =	simm.s32 $0x8300;
	v6 =	vmul.f32 $1.131370830e+01, v8;
	v4 =	vld [tilespmem:s19+$0x0];
	[tilespmem:s19+$0x80] =	vst v7  }
.LBB2_10:
0xe6: {  	v7 =	vld [tilespmem:s5+$0xF0];
	s21 =	sadd.s32 $0x2, s21;
	[tilespmem:s19+$0x90] =	vst v5;
	v0 =	vmul.f32 $1.131370830e+01, v0  }
0xe7: {  	v5 =	vld [tilespmem:s5+$0x10];
	p0 =	slt.u32 s21, $0x13E;
	[tilespmem:s19+$0xA0] =	vst v6;
	v1 =	vmul.f32 $1.131370830e+01, v1  }
0xe8: {  	v6 =	vld [tilespmem:s5+$0x20];
	[tilespmem:s19+$0xB0] =	vst v0;
	v0 =	vmul.f32 $1.131370830e+01, v2  }
0xe9: {  	v2 =	vld [tilespmem:s5+$0x30];
	[tilespmem:s19+$0xC0] =	vst v1;
	v1 =	vmul.f32 $1.131370830e+01, v3  }
0xea: {  	v3 =	vld [tilespmem:s5+$0x40];
	v4 =	vmul.f32 $1.131370830e+01, v4;
	[tilespmem:s19+$0xD0] =	vst v0  }
0xeb: {  	v0 =	vld [tilespmem:s5+$0x50];
	v7 =	vmul.f32 $1.131370830e+01, v7;
	[tilespmem:s19+$0xE0] =	vst v1  }
0xec: {  	v1 =	vmul.f32 $1.131370830e+01, v5;
	v5 =	vld [tilespmem:s5+$0x60];
	[tilespmem:s19+$0x0] =	vst v4;
	s19 =	smov.u32 s5  }
0xed: {  	v4 =	vmul.f32 $1.131370830e+01, v6;
	v6 =	vld [tilespmem:s5+$0x70];
	[tilespmem:s5+$0xF0] =	vst v7  }
0xee: {  	[tilespmem:s5+$0x10] =	vst v1;
	v1 =	vmul.f32 $1.131370830e+01, v2;
	v2 =	vld [tilespmem:s5+$0x80]  }
0xef: {  	[tilespmem:s5+$0x20] =	vst v4;
	v3 =	vmul.f32 $1.131370830e+01, v3;
	v4 =	vld [tilespmem:s5+$0x90]  }
0xf0: {  	[tilespmem:s5+$0x30] =	vst v1;
	v1 =	vmul.f32 $1.131370830e+01, v0;
	v7 =	vld [tilespmem:s5+$0xA0]  }
.Ltmp4:
0xf1: {  	[tilespmem:s5+$0x40] =	vst v3;
	v3 =	vmul.f32 $1.131370830e+01, v5;
	v0 =	vld [tilespmem:s5+$0xB0];
	(pc) =	sbr.rel @p0 .LBB2_10-.Ltmp4, $4  }
0xf2: {  	[tilespmem:s5+$0x50] =	vst v1;
	v5 =	vmul.f32 $1.131370830e+01, v6;
	v1 =	vld [tilespmem:s5+$0xC0]  }
0xf3: {  	[tilespmem:s5+$0x60] =	vst v3;
	v6 =	vmul.f32 $1.131370830e+01, v2;
	v2 =	vld [tilespmem:s5+$0xD0]  }
0xf4: {  	[tilespmem:s5+$0x70] =	vst v5;
	v5 =	vmul.f32 $1.131370830e+01, v4;
	v3 =	vld [tilespmem:s5+$0xE0]  }
0xf5: {  	s5 =	sadd.s32 $0x100, s5;
	v4 =	vld [tilespmem:s19+$0x0];
	[tilespmem:s19+$0x80] =	vst v6;
	v6 =	vmul.f32 $1.131370830e+01, v7  }
0xf6: {  	[tilespmem:s19+$0x90] =	vst v5;
	v0 =	vmul.f32 $1.131370830e+01, v0  }
0xf7: {  	[tilespmem:s19+$0xA0] =	vst v6;
	v1 =	vmul.f32 $1.131370830e+01, v1  }
0xf8: {  	[tilespmem:s19+$0xB0] =	vst v0;
	v0 =	vmul.f32 $1.131370830e+01, v2  }
0xf9: {  	[tilespmem:s19+$0xC0] =	vst v1;
	v1 =	vmul.f32 $1.131370830e+01, v3  }
0xfa: {  	v2 =	vmul.f32 $1.131370830e+01, v4;
	[tilespmem:s19+$0xD0] =	vst v0  }
0xfb: {  	[tilespmem:s19+$0xE0] =	vst v1  }
0xfc: {  	[tilespmem:s19+$0x0] =	vst v2  }
0xfd: {  	[hbm4b:s9+s3] =	stream.linear.scatter [tilespmem:s23], [sflag:$0xA], $0x2000, $0x38;
	[tilespmem:$0x10200] =	vst v63  }
0xfe: {  	_ =	swait.ge [sflag:s24], $0x2000  }
0xff: {  	[sflag:s24] =	ssyncset.done $0x0  }
0x100: {  	s19 =	simm.s32 $0xA200;
	[sflag:s24] =	ssyncadd.s32 $0xFFFFE000  }
0x101: {  	v0 =	vld [tilespmem:s19+$0xF0]  }
0x102: {  	v1 =	vld [tilespmem:s19+$0x10]  }
0x103: {  	v2 =	vld [tilespmem:s19+$0x20]  }
0x104: {  	v3 =	vld [tilespmem:s19+$0x30]  }
0x105: {  	v4 =	vld [tilespmem:s19+$0x40]  }
0x106: {  	v5 =	vld [tilespmem:s19+$0x50];
	v0 =	vmul.f32 $1.131370830e+01, v0  }
0x107: {  	v6 =	vld [tilespmem:s19+$0x60];
	v1 =	vmul.f32 $1.131370830e+01, v1  }
0x108: {  	v7 =	vld [tilespmem:s19+$0x70];
	v2 =	vmul.f32 $1.131370830e+01, v2;
	[tilespmem:s19+$0xF0] =	vst v0  }
0x109: {  	[tilespmem:s19+$0x10] =	vst v1;
	v0 =	vmul.f32 $1.131370830e+01, v3;
	v3 =	vld [tilespmem:s19+$0x80]  }
0x10a: {  	[tilespmem:s19+$0x20] =	vst v2;
	v1 =	vmul.f32 $1.131370830e+01, v4;
	v4 =	vld [tilespmem:s19+$0x90]  }
0x10b: {  	v8 =	vld [tilespmem:s19+$0xA0];
	v2 =	vmul.f32 $1.131370830e+01, v5;
	[tilespmem:s19+$0x30] =	vst v0  }
0x10c: {  	v5 =	vmul.f32 $1.131370830e+01, v6;
	[tilespmem:s19+$0x40] =	vst v1;
	v0 =	vld [tilespmem:s19+$0xB0]  }
0x10d: {  	v6 =	vmul.f32 $1.131370830e+01, v7;
	[tilespmem:s19+$0x50] =	vst v2;
	v1 =	vld [tilespmem:s19+$0xC0]  }
0x10e: {  	[tilespmem:s19+$0x60] =	vst v5;
	v2 =	vld [tilespmem:s19+$0xD0];
	v7 =	vmul.f32 $1.131370830e+01, v3  }
0x10f: {  	[tilespmem:s19+$0x70] =	vst v6;
	v3 =	vld [tilespmem:s19+$0xE0];
	v5 =	vmul.f32 $1.131370830e+01, v4  }
0x110: {  	s21 =	simm.s32 $0x140;
	s5 =	simm.s32 $0xA300;
	v6 =	vmul.f32 $1.131370830e+01, v8;
	v4 =	vld [tilespmem:s19+$0x0];
	[tilespmem:s19+$0x80] =	vst v7  }
.LBB2_12:
0x111: {  	v7 =	vld [tilespmem:s5+$0xF0];
	s21 =	sadd.s32 $0x2, s21;
	[tilespmem:s19+$0x90] =	vst v5;
	v0 =	vmul.f32 $1.131370830e+01, v0  }
0x112: {  	v5 =	vld [tilespmem:s5+$0x10];
	p0 =	slt.u32 s21, $0x17E;
	[tilespmem:s19+$0xA0] =	vst v6;
	v1 =	vmul.f32 $1.131370830e+01, v1  }
0x113: {  	v6 =	vld [tilespmem:s5+$0x20];
	[tilespmem:s19+$0xB0] =	vst v0;
	v0 =	vmul.f32 $1.131370830e+01, v2  }
0x114: {  	v2 =	vld [tilespmem:s5+$0x30];
	[tilespmem:s19+$0xC0] =	vst v1;
	v1 =	vmul.f32 $1.131370830e+01, v3  }
0x115: {  	v3 =	vld [tilespmem:s5+$0x40];
	v4 =	vmul.f32 $1.131370830e+01, v4;
	[tilespmem:s19+$0xD0] =	vst v0  }
0x116: {  	v0 =	vld [tilespmem:s5+$0x50];
	v7 =	vmul.f32 $1.131370830e+01, v7;
	[tilespmem:s19+$0xE0] =	vst v1  }
0x117: {  	v1 =	vmul.f32 $1.131370830e+01, v5;
	v5 =	vld [tilespmem:s5+$0x60];
	[tilespmem:s19+$0x0] =	vst v4;
	s19 =	smov.u32 s5  }
0x118: {  	v4 =	vmul.f32 $1.131370830e+01, v6;
	v6 =	vld [tilespmem:s5+$0x70];
	[tilespmem:s5+$0xF0] =	vst v7  }
0x119: {  	[tilespmem:s5+$0x10] =	vst v1;
	v1 =	vmul.f32 $1.131370830e+01, v2;
	v2 =	vld [tilespmem:s5+$0x80]  }
0x11a: {  	[tilespmem:s5+$0x20] =	vst v4;
	v3 =	vmul.f32 $1.131370830e+01, v3;
	v4 =	vld [tilespmem:s5+$0x90]  }
0x11b: {  	[tilespmem:s5+$0x30] =	vst v1;
	v1 =	vmul.f32 $1.131370830e+01, v0;
	v7 =	vld [tilespmem:s5+$0xA0]  }
.Ltmp5:
0x11c: {  	[tilespmem:s5+$0x40] =	vst v3;
	v3 =	vmul.f32 $1.131370830e+01, v5;
	v0 =	vld [tilespmem:s5+$0xB0];
	(pc) =	sbr.rel @p0 .LBB2_12-.Ltmp5, $4  }
0x11d: {  	[tilespmem:s5+$0x50] =	vst v1;
	v5 =	vmul.f32 $1.131370830e+01, v6;
	v1 =	vld [tilespmem:s5+$0xC0]  }
0x11e: {  	[tilespmem:s5+$0x60] =	vst v3;
	v6 =	vmul.f32 $1.131370830e+01, v2;
	v2 =	vld [tilespmem:s5+$0xD0]  }
0x11f: {  	[tilespmem:s5+$0x70] =	vst v5;
	v5 =	vmul.f32 $1.131370830e+01, v4;
	v3 =	vld [tilespmem:s5+$0xE0]  }
0x120: {  	s5 =	sadd.s32 $0x100, s5;
	v4 =	vld [tilespmem:s19+$0x0];
	[tilespmem:s19+$0x80] =	vst v6;
	v6 =	vmul.f32 $1.131370830e+01, v7  }
0x121: {  	[tilespmem:s19+$0x90] =	vst v5;
	v0 =	vmul.f32 $1.131370830e+01, v0  }
0x122: {  	[tilespmem:s19+$0xA0] =	vst v6;
	v1 =	vmul.f32 $1.131370830e+01, v1  }
0x123: {  	[tilespmem:s19+$0xB0] =	vst v0;
	v0 =	vmul.f32 $1.131370830e+01, v2  }
0x124: {  	[tilespmem:s19+$0xC0] =	vst v1;
	v1 =	vmul.f32 $1.131370830e+01, v3  }
0x125: {  	v2 =	vmul.f32 $1.131370830e+01, v4;
	[tilespmem:s19+$0xD0] =	vst v0  }
0x126: {  	[tilespmem:s19+$0xE0] =	vst v1  }
0x127: {  	[tilespmem:s19+$0x0] =	vst v2  }
0x128: {  	[hbm4b:s10+s3] =	stream.linear.scatter [tilespmem:s25], [sflag:$0xA], $0x2000, $0x38;
	[tilespmem:$0x10200] =	vst v63  }
0x129: {  	_ =	swait.ge [sflag:s26], $0x2000  }
0x12a: {  	[sflag:s26] =	ssyncset.done $0x0  }
0x12b: {  	s19 =	simm.s32 $0xC200;
	[sflag:s26] =	ssyncadd.s32 $0xFFFFE000  }
0x12c: {  	v0 =	vld [tilespmem:s19+$0xF0]  }
0x12d: {  	v1 =	vld [tilespmem:s19+$0x10]  }
0x12e: {  	v2 =	vld [tilespmem:s19+$0x20]  }
0x12f: {  	v3 =	vld [tilespmem:s19+$0x30]  }
0x130: {  	v4 =	vld [tilespmem:s19+$0x40]  }
0x131: {  	v5 =	vld [tilespmem:s19+$0x50];
	v0 =	vmul.f32 $1.131370830e+01, v0  }
0x132: {  	v6 =	vld [tilespmem:s19+$0x60];
	v1 =	vmul.f32 $1.131370830e+01, v1  }
0x133: {  	v7 =	vld [tilespmem:s19+$0x70];
	v2 =	vmul.f32 $1.131370830e+01, v2;
	[tilespmem:s19+$0xF0] =	vst v0  }
0x134: {  	[tilespmem:s19+$0x10] =	vst v1;
	v0 =	vmul.f32 $1.131370830e+01, v3;
	v3 =	vld [tilespmem:s19+$0x80]  }
0x135: {  	[tilespmem:s19+$0x20] =	vst v2;
	v1 =	vmul.f32 $1.131370830e+01, v4;
	v4 =	vld [tilespmem:s19+$0x90]  }
0x136: {  	v8 =	vld [tilespmem:s19+$0xA0];
	v2 =	vmul.f32 $1.131370830e+01, v5;
	[tilespmem:s19+$0x30] =	vst v0  }
0x137: {  	v5 =	vmul.f32 $1.131370830e+01, v6;
	[tilespmem:s19+$0x40] =	vst v1;
	v0 =	vld [tilespmem:s19+$0xB0]  }
0x138: {  	v6 =	vmul.f32 $1.131370830e+01, v7;
	[tilespmem:s19+$0x50] =	vst v2;
	v1 =	vld [tilespmem:s19+$0xC0]  }
0x139: {  	[tilespmem:s19+$0x60] =	vst v5;
	v2 =	vld [tilespmem:s19+$0xD0];
	v7 =	vmul.f32 $1.131370830e+01, v3  }
0x13a: {  	[tilespmem:s19+$0x70] =	vst v6;
	v3 =	vld [tilespmem:s19+$0xE0];
	v5 =	vmul.f32 $1.131370830e+01, v4  }
0x13b: {  	s21 =	simm.s32 $0x180;
	s5 =	simm.s32 $0xC300;
	v6 =	vmul.f32 $1.131370830e+01, v8;
	v4 =	vld [tilespmem:s19+$0x0];
	[tilespmem:s19+$0x80] =	vst v7  }
.LBB2_14:
0x13c: {  	v7 =	vld [tilespmem:s5+$0xF0];
	s21 =	sadd.s32 $0x2, s21;
	[tilespmem:s19+$0x90] =	vst v5;
	v0 =	vmul.f32 $1.131370830e+01, v0  }
0x13d: {  	v5 =	vld [tilespmem:s5+$0x10];
	p0 =	slt.u32 s21, $0x1BE;
	[tilespmem:s19+$0xA0] =	vst v6;
	v1 =	vmul.f32 $1.131370830e+01, v1  }
0x13e: {  	v6 =	vld [tilespmem:s5+$0x20];
	[tilespmem:s19+$0xB0] =	vst v0;
	v0 =	vmul.f32 $1.131370830e+01, v2  }
0x13f: {  	v2 =	vld [tilespmem:s5+$0x30];
	[tilespmem:s19+$0xC0] =	vst v1;
	v1 =	vmul.f32 $1.131370830e+01, v3  }
0x140: {  	v3 =	vld [tilespmem:s5+$0x40];
	v4 =	vmul.f32 $1.131370830e+01, v4;
	[tilespmem:s19+$0xD0] =	vst v0  }
0x141: {  	v0 =	vld [tilespmem:s5+$0x50];
	v7 =	vmul.f32 $1.131370830e+01, v7;
	[tilespmem:s19+$0xE0] =	vst v1  }
0x142: {  	v1 =	vmul.f32 $1.131370830e+01, v5;
	v5 =	vld [tilespmem:s5+$0x60];
	[tilespmem:s19+$0x0] =	vst v4;
	s19 =	smov.u32 s5  }
0x143: {  	v4 =	vmul.f32 $1.131370830e+01, v6;
	v6 =	vld [tilespmem:s5+$0x70];
	[tilespmem:s5+$0xF0] =	vst v7  }
0x144: {  	[tilespmem:s5+$0x10] =	vst v1;
	v1 =	vmul.f32 $1.131370830e+01, v2;
	v2 =	vld [tilespmem:s5+$0x80]  }
0x145: {  	[tilespmem:s5+$0x20] =	vst v4;
	v3 =	vmul.f32 $1.131370830e+01, v3;
	v4 =	vld [tilespmem:s5+$0x90]  }
0x146: {  	[tilespmem:s5+$0x30] =	vst v1;
	v1 =	vmul.f32 $1.131370830e+01, v0;
	v7 =	vld [tilespmem:s5+$0xA0]  }
.Ltmp6:
0x147: {  	[tilespmem:s5+$0x40] =	vst v3;
	v3 =	vmul.f32 $1.131370830e+01, v5;
	v0 =	vld [tilespmem:s5+$0xB0];
	(pc) =	sbr.rel @p0 .LBB2_14-.Ltmp6, $4  }
0x148: {  	[tilespmem:s5+$0x50] =	vst v1;
	v5 =	vmul.f32 $1.131370830e+01, v6;
	v1 =	vld [tilespmem:s5+$0xC0]  }
0x149: {  	[tilespmem:s5+$0x60] =	vst v3;
	v6 =	vmul.f32 $1.131370830e+01, v2;
	v2 =	vld [tilespmem:s5+$0xD0]  }
0x14a: {  	[tilespmem:s5+$0x70] =	vst v5;
	v5 =	vmul.f32 $1.131370830e+01, v4;
	v3 =	vld [tilespmem:s5+$0xE0]  }
0x14b: {  	s5 =	sadd.s32 $0x100, s5;
	v4 =	vld [tilespmem:s19+$0x0];
	[tilespmem:s19+$0x80] =	vst v6;
	v6 =	vmul.f32 $1.131370830e+01, v7  }
0x14c: {  	[tilespmem:s19+$0x90] =	vst v5;
	v0 =	vmul.f32 $1.131370830e+01, v0  }
0x14d: {  	[tilespmem:s19+$0xA0] =	vst v6;
	v1 =	vmul.f32 $1.131370830e+01, v1  }
0x14e: {  	[tilespmem:s19+$0xB0] =	vst v0;
	v0 =	vmul.f32 $1.131370830e+01, v2  }
0x14f: {  	[tilespmem:s19+$0xC0] =	vst v1;
	v1 =	vmul.f32 $1.131370830e+01, v3  }
0x150: {  	v2 =	vmul.f32 $1.131370830e+01, v4;
	[tilespmem:s19+$0xD0] =	vst v0  }
0x151: {  	[tilespmem:s19+$0xE0] =	vst v1  }
0x152: {  	[tilespmem:s19+$0x0] =	vst v2  }
0x153: {  	[hbm4b:s11+s3] =	stream.linear.scatter [tilespmem:s28], [sflag:$0xA], $0x2000, $0x38;
	[tilespmem:$0x10200] =	vst v63  }
0x154: {  	_ =	swait.ge [sflag:s29], $0x2000  }
0x155: {  	[sflag:s29] =	ssyncset.done $0x0  }
0x156: {  	s19 =	simm.s32 $0xE200;
	[sflag:s29] =	ssyncadd.s32 $0xFFFFE000  }
0x157: {  	v0 =	vld [tilespmem:s19+$0xF0]  }
0x158: {  	v1 =	vld [tilespmem:s19+$0x10]  }
0x159: {  	v2 =	vld [tilespmem:s19+$0x20]  }
0x15a: {  	v3 =	vld [tilespmem:s19+$0x30]  }
0x15b: {  	v4 =	vld [tilespmem:s19+$0x40]  }
0x15c: {  	v5 =	vld [tilespmem:s19+$0x50];
	v0 =	vmul.f32 $1.131370830e+01, v0  }
0x15d: {  	v6 =	vld [tilespmem:s19+$0x60];
	v1 =	vmul.f32 $1.131370830e+01, v1  }
0x15e: {  	v7 =	vld [tilespmem:s19+$0x70];
	v2 =	vmul.f32 $1.131370830e+01, v2;
	[tilespmem:s19+$0xF0] =	vst v0  }
0x15f: {  	[tilespmem:s19+$0x10] =	vst v1;
	v0 =	vmul.f32 $1.131370830e+01, v3;
	v3 =	vld [tilespmem:s19+$0x80]  }
0x160: {  	[tilespmem:s19+$0x20] =	vst v2;
	v1 =	vmul.f32 $1.131370830e+01, v4;
	v4 =	vld [tilespmem:s19+$0x90]  }
0x161: {  	v8 =	vld [tilespmem:s19+$0xA0];
	v2 =	vmul.f32 $1.131370830e+01, v5;
	[tilespmem:s19+$0x30] =	vst v0  }
0x162: {  	v5 =	vmul.f32 $1.131370830e+01, v6;
	[tilespmem:s19+$0x40] =	vst v1;
	v0 =	vld [tilespmem:s19+$0xB0]  }
0x163: {  	v6 =	vmul.f32 $1.131370830e+01, v7;
	[tilespmem:s19+$0x50] =	vst v2;
	v1 =	vld [tilespmem:s19+$0xC0]  }
0x164: {  	[tilespmem:s19+$0x60] =	vst v5;
	v2 =	vld [tilespmem:s19+$0xD0];
	v7 =	vmul.f32 $1.131370830e+01, v3  }
0x165: {  	[tilespmem:s19+$0x70] =	vst v6;
	v3 =	vld [tilespmem:s19+$0xE0];
	v5 =	vmul.f32 $1.131370830e+01, v4  }
0x166: {  	s21 =	simm.s32 $0x1C0;
	s5 =	simm.s32 $0xE300;
	v6 =	vmul.f32 $1.131370830e+01, v8;
	v4 =	vld [tilespmem:s19+$0x0];
	[tilespmem:s19+$0x80] =	vst v7  }
.LBB2_16:
0x167: {  	v7 =	vld [tilespmem:s5+$0xF0];
	s21 =	sadd.s32 $0x2, s21;
	[tilespmem:s19+$0x90] =	vst v5;
	v0 =	vmul.f32 $1.131370830e+01, v0  }
0x168: {  	v5 =	vld [tilespmem:s5+$0x10];
	p0 =	slt.u32 s21, $0x1FE;
	[tilespmem:s19+$0xA0] =	vst v6;
	v1 =	vmul.f32 $1.131370830e+01, v1  }
0x169: {  	v6 =	vld [tilespmem:s5+$0x20];
	[tilespmem:s19+$0xB0] =	vst v0;
	v0 =	vmul.f32 $1.131370830e+01, v2  }
0x16a: {  	v2 =	vld [tilespmem:s5+$0x30];
	[tilespmem:s19+$0xC0] =	vst v1;
	v1 =	vmul.f32 $1.131370830e+01, v3  }
0x16b: {  	v3 =	vld [tilespmem:s5+$0x40];
	v4 =	vmul.f32 $1.131370830e+01, v4;
	[tilespmem:s19+$0xD0] =	vst v0  }
0x16c: {  	v0 =	vld [tilespmem:s5+$0x50];
	v7 =	vmul.f32 $1.131370830e+01, v7;
	[tilespmem:s19+$0xE0] =	vst v1  }
0x16d: {  	v1 =	vmul.f32 $1.131370830e+01, v5;
	v5 =	vld [tilespmem:s5+$0x60];
	[tilespmem:s19+$0x0] =	vst v4;
	s19 =	smov.u32 s5  }
0x16e: {  	v4 =	vmul.f32 $1.131370830e+01, v6;
	v6 =	vld [tilespmem:s5+$0x70];
	[tilespmem:s5+$0xF0] =	vst v7  }
0x16f: {  	[tilespmem:s5+$0x10] =	vst v1;
	v1 =	vmul.f32 $1.131370830e+01, v2;
	v2 =	vld [tilespmem:s5+$0x80]  }
0x170: {  	[tilespmem:s5+$0x20] =	vst v4;
	v3 =	vmul.f32 $1.131370830e+01, v3;
	v4 =	vld [tilespmem:s5+$0x90]  }
0x171: {  	[tilespmem:s5+$0x30] =	vst v1;
	v1 =	vmul.f32 $1.131370830e+01, v0;
	v7 =	vld [tilespmem:s5+$0xA0]  }
.Ltmp7:
0x172: {  	[tilespmem:s5+$0x40] =	vst v3;
	v3 =	vmul.f32 $1.131370830e+01, v5;
	v0 =	vld [tilespmem:s5+$0xB0];
	(pc) =	sbr.rel @p0 .LBB2_16-.Ltmp7, $4  }
0x173: {  	[tilespmem:s5+$0x50] =	vst v1;
	v5 =	vmul.f32 $1.131370830e+01, v6;
	v1 =	vld [tilespmem:s5+$0xC0]  }
0x174: {  	[tilespmem:s5+$0x60] =	vst v3;
	v6 =	vmul.f32 $1.131370830e+01, v2;
	v2 =	vld [tilespmem:s5+$0xD0]  }
0x175: {  	[tilespmem:s5+$0x70] =	vst v5;
	v5 =	vmul.f32 $1.131370830e+01, v4;
	v3 =	vld [tilespmem:s5+$0xE0]  }
0x176: {  	s5 =	sadd.s32 $0x100, s5;
	v4 =	vld [tilespmem:s19+$0x0];
	[tilespmem:s19+$0x80] =	vst v6;
	v6 =	vmul.f32 $1.131370830e+01, v7  }
0x177: {  	[tilespmem:s19+$0x90] =	vst v5;
	v0 =	vmul.f32 $1.131370830e+01, v0  }
0x178: {  	[tilespmem:s19+$0xA0] =	vst v6;
	v1 =	vmul.f32 $1.131370830e+01, v1  }
0x179: {  	[tilespmem:s19+$0xB0] =	vst v0;
	v61 =	vmul.f32 $1.131370830e+01, v2  }
0x17a: {  	[tilespmem:s19+$0xC0] =	vst v1;
	v62 =	vmul.f32 $1.131370830e+01, v3  }
0x17b: {  	s18 =	sadd.s32 $0x1, s18;
	v63 =	vmul.f32 $1.131370830e+01, v4;
	[tilespmem:s19+$0xD0] =	vst v61  }
0x17c: {  	p0 =	sne.s32 s18, s13;
	[tilespmem:s19+$0xE0] =	vst v62  }
.Ltmp8:
0x17d: {  	[tilespmem:s19+$0x0] =	vst v63;
	(pc) =	sbr.rel @p0 .LBB2_1-.Ltmp8, $4  }
0x17e: {  	[hbm4b:s12+s3] =	stream.linear.scatter [tilespmem:s30], [sflag:$0xA], $0x2000, $0x38;
	[tilespmem:$0x10200] =	vst v63  }
0x17f: {  	_ =	swait.ge [sflag:s14], $0x10000  }
0x180: {  	[sflag:s14] =	ssyncset.done $0x0  }
0x181: {  	[sflag:s14] =	ssyncadd.s32 $0xFFFF0000  }
0x182: {  	_ =	sfence.sel $0x180000  }
0x183: {  	[bflag:$0x0] =	sbarrier.arrive $0xFFFF  }
0x184: {  	_ =	strace $0x90000047  }
0x185: {  	s0 =	stileid.u32;
	[bflag:$0x2] =	sbarrier.arrive $0xFFFF  }
0x186: {  	p0 =	sne.s32 s0, $0x0;
	s0 =	rddreg [dreg:$0x3]  }
0x187: {  	s0 =	sadd.s32 @!p0 $0x100000, s0  }
0x188: {  	[sflag:s0] =	ssyncadd.tile.s32 @!p0 $0x1;
	_ =	shalt  }
.Lfunc_end2:
_tile_overlayer_lowered:
.L_overlay_start_2:
0x189: {  	(tag) =	ssettag $0x2  }
0x18a: {  	s0 =	rddreg [dreg:$0x0];
	s2 =	stileid.u32  }
0x18b: {  	s1 =	rddreg [dreg:$0x1];
	p0 =	sne.s32 s2, $0x0  }
0x18c: {  	s3 =	rddreg [dreg:$0x2];
	[bflag:$0x3] =	sbarrier.arrive $0xFFFF;
	s2 =	simm.s32 @!p0 $0x1C0B  }
0x18d: {  	[timem:s3], [sflag:s2] =	dma.local @!p0 [hbm:s0], s1  }
0x18e: {  	s0 =	simm.s32 @!p0 $0xB  }
0x18f: {  	_ =	swait.ge @!p0 [sflag:s0], s1  }
0x190: {  	s1 =	ssub.s32 @!p0 $0x0, s1;
	[sflag:s0] =	ssyncset.done @!p0 $0x0  }
0x191: {  	[sflag:s0] =	ssyncadd.s32 @!p0 s1  }
0x192: {  	[bflag:$0x3] =	sbarrier.arrive $0xFFFF  }
0x193: {  	_ =	shalt  }

</sc_bundles>
